<compile_context>
chip_gen: v7x
topology: tpu7x:2x2x1
jax: 0.10.2.dev20260603
libtpu: 0.0.44.dev20260713+nightly
codegen_flags: <defaults>
</compile_context>

<pallas_src>
import functools

import jax
import jax.numpy as jnp
from jax import lax
from jax.experimental import pallas as pl
from jax.experimental.pallas import tpu as pltpu
from jax.experimental.pallas import tpu_sc as plsc

E = 8
D = 768
F = 3072
T = 2048

TILE = 256
FT = 512
NF = F // FT
WMAX = T // TILE + E - 1
PAD = WMAX * TILE

NC = 2
NS = 16
NW = NC * NS
TPW = T // NW
LANE = 16

_mesh = plsc.VectorSubcoreMesh(
    core_axis_name="c", subcore_axis_name="s", num_cores=NC, num_subcores=NS)


def _wid():
    return lax.axis_index("s") * NC + lax.axis_index("c")


@functools.partial(
    pl.kernel,
    out_type=jax.ShapeDtypeStruct((NW, LANE), jnp.int32),
    mesh=_mesh,
    scratch_types=[
        pltpu.VMEM((TPW,), jnp.int32),
        pltpu.VMEM((LANE,), jnp.int32),
    ],
    compiler_params=pltpu.CompilerParams(needs_layout_passes=False),
)
def _sc_hist(ids_hbm, hist_hbm, ids_v, cnt_v):
    w = _wid()
    pltpu.sync_copy(ids_hbm.at[pl.ds(w * TPW, TPW)], ids_v)
    cnt_v[...] = jnp.zeros((LANE,), jnp.int32)
    for v in range(TPW // LANE):
        idv = ids_v[pl.ds(v * LANE, LANE)]
        occ, last = plsc.scan_count(idv)
        base = plsc.load_gather(cnt_v, [idv])
        plsc.store_scatter(cnt_v, [idv], base + occ, mask=last)
    pltpu.sync_copy(cnt_v, hist_hbm.at[w])


@functools.partial(
    pl.kernel,
    out_type=(
        jax.ShapeDtypeStruct((T,), jnp.int32),
        jax.ShapeDtypeStruct((PAD, D), jnp.float32),
    ),
    mesh=_mesh,
    scratch_types=[
        pltpu.VMEM((TPW,), jnp.int32),
        pltpu.VMEM((LANE,), jnp.int32),
        pltpu.VMEM((TPW,), jnp.int32),
        pltpu.VMEM((TPW, D), jnp.float32),
        pltpu.SemaphoreType.DMA,
    ],
    compiler_params=pltpu.CompilerParams(needs_layout_passes=False),
)
def _sc_rank_scatter(x_hbm, ids_hbm, start_hbm, rank_hbm, xs_hbm,
                     ids_v, start_v, rank_v, xv, sem):
    w = _wid()
    pltpu.sync_copy(ids_hbm.at[pl.ds(w * TPW, TPW)], ids_v)
    pltpu.sync_copy(start_hbm.at[w], start_v)
    for v in range(TPW // LANE):
        idv = ids_v[pl.ds(v * LANE, LANE)]
        occ, last = plsc.scan_count(idv)
        base = plsc.load_gather(start_v, [idv])
        rank = base + occ - 1
        rank_v[pl.ds(v * LANE, LANE)] = rank
        plsc.store_scatter(start_v, [idv], rank + 1, mask=last)
    pltpu.sync_copy(rank_v, rank_hbm.at[pl.ds(w * TPW, TPW)])
    pltpu.sync_copy(x_hbm.at[pl.ds(w * TPW, TPW)], xv)
    pltpu.async_copy(xv, xs_hbm.at[rank_v], sem).wait()


@functools.partial(
    pl.kernel,
    out_type=jax.ShapeDtypeStruct((T, D), jnp.float32),
    mesh=_mesh,
    scratch_types=[
        pltpu.VMEM((TPW,), jnp.int32),
        pltpu.VMEM((TPW, D), jnp.float32),
        pltpu.SemaphoreType.DMA,
    ],
    compiler_params=pltpu.CompilerParams(needs_layout_passes=False),
)
def _sc_gather_out(ys_hbm, rank_hbm, out_hbm, idx_v, rows_v, sem):
    w = _wid()
    pltpu.sync_copy(rank_hbm.at[pl.ds(w * TPW, TPW)], idx_v)
    pltpu.async_copy(ys_hbm.at[idx_v], rows_v, sem).wait()
    pltpu.sync_copy(rows_v, out_hbm.at[pl.ds(w * TPW, TPW)])


def _gemm_body(gids_ref, nreal_ref, x_ref, wi_ref, wo_ref, out_ref):
    f = pl.program_id(0)
    w = pl.program_id(1)

    @pl.when(w < nreal_ref[0])
    def _():
        h = jnp.dot(x_ref[...], wi_ref[0], preferred_element_type=jnp.float32)
        h = jnp.maximum(h, 0.0)
        acc = jnp.dot(h, wo_ref[0], preferred_element_type=jnp.float32)
        base = w * TILE

        @pl.when(f == 0)
        def _():
            out_ref[pl.ds(base, TILE), :] = acc

        @pl.when(f > 0)
        def _():
            out_ref[pl.ds(base, TILE), :] += acc


def _grouped_gemm(gids, nreal, xs, fused_wi, fused_wo):
    grid_spec = pltpu.PrefetchScalarGridSpec(
        num_scalar_prefetch=2,
        grid=(NF, WMAX),
        in_specs=[
            pl.BlockSpec((TILE, D), lambda f, w, g, n: (w, 0)),
            pl.BlockSpec((1, D, FT), lambda f, w, g, n: (g[w], 0, f)),
            pl.BlockSpec((1, FT, D), lambda f, w, g, n: (g[w], f, 0)),
        ],
        out_specs=pl.BlockSpec((PAD, D), lambda f, w, g, n: (0, 0)),
    )
    return pl.pallas_call(
        _gemm_body,
        grid_spec=grid_spec,
        out_shape=jax.ShapeDtypeStruct((PAD, D), jnp.float32),
    )(gids, nreal, xs, fused_wi, fused_wo)


def kernel(x, expert_ids, fused_wi, fused_wo):
    ids = expert_ids.astype(jnp.int32)

    hist = _sc_hist(ids)
    hist_e = hist[:, :E]
    counts = jnp.sum(hist_e, axis=0)
    tiles = (counts + TILE - 1) // TILE
    cum_tiles = jnp.cumsum(tiles)
    padded_base = (cum_tiles - tiles) * TILE
    excl = jnp.cumsum(hist_e, axis=0) - hist_e
    start = padded_base[None, :] + excl
    start = jnp.pad(start, ((0, 0), (0, LANE - E)))

    rank, xs = _sc_rank_scatter(x, ids, start)

    gids = jnp.searchsorted(cum_tiles, jnp.arange(WMAX, dtype=jnp.int32),
                            side="right").astype(jnp.int32)
    gids = jnp.minimum(gids, E - 1)
    nreal = cum_tiles[-1:].astype(jnp.int32)

    ys = _grouped_gemm(gids, nreal, xs, fused_wi, fused_wo)
    return _sc_gather_out(ys, rank)

# --- scband reference (transcript-rebuilt; emitter-appended) ---
"""Pipeline reference for scband-sliced-expert-manager-fused-kernel-86294482911902 (READ-ONLY COPY).

The authoritative reference and input builder live on the scoring server;
editing this copy changes nothing except your own understanding.
"""

import jax, jax.numpy as jnp
import numpy as np

E = 8      # num experts
D = 768    # d_model (hidden_size)
F = 3072   # d_ff (ffn_hidden_size)
T = 2048   # total tokens (batch*seq)


def setup_inputs(seed: int = 0) -> dict:
    key = jax.random.key(seed)
    k1, k2, k3, k4 = jax.random.split(key, 4)
    x = jax.random.normal(k1, (T, D), dtype=jnp.float32)
    expert_ids = jax.random.randint(k2, (T,), 0, E).astype(jnp.int32)
    # fused expert weights: concat of per-expert wi (d_model x d_ff) and wo (d_ff x d_model),
    # matching self.fused_wi [hidden, ffn*E] / self.fused_wo [ffn*E, hidden] but kept as [E, ., .]
    fused_wi = jax.random.normal(k3, (E, D, F), dtype=jnp.float32) * 0.02
    fused_wo = jax.random.normal(k4, (E, F, D), dtype=jnp.float32) * 0.02
    return {"x": x, "expert_ids": expert_ids, "fused_wi": fused_wi, "fused_wo": fused_wo}


def reference(x, expert_ids, fused_wi, fused_wo):
    # indices_and_padded_bins + ops.padded_gather: sort tokens by assigned expert
    order = jnp.argsort(expert_ids)                 # gather order (stable grouping by expert)
    xs = jnp.take(x, order, axis=0)                 # padded_gather
    ids_s = jnp.take(expert_ids, order)
    # stk.ops.sdd(x, fused_wi, topo): block-diagonal sparse matmul == per-expert dense matmul
    h = jnp.einsum('td,edf->etf', xs, fused_wi)     # [E, T, F]
    h = jax.nn.relu(h)                              # self.act on sparse matrix data
    # stk.ops.dsd(x, fused_wo): per-expert second matmul
    y = jnp.einsum('etf,efd->etd', h, fused_wo)     # [E, T, D]
    # select each token's own expert output (topology restricts each row to one expert block)
    onehot = jax.nn.one_hot(ids_s, E, dtype=x.dtype)  # [T, E]
    ys = jnp.einsum('etd,te->td', y, onehot)        # [T, D]
    # expert_weights = ones -> multiply by 1
    expert_weights = jnp.ones((ys.shape[0], 1), dtype=x.dtype)
    ys = ys * expert_weights
    # ops.padded_scatter: un-permute back to original token order
    out = jnp.zeros_like(x).at[order].set(ys)
    return out

if __name__ == "__main__":
    import jax
    _d = setup_inputs()
    print(jax.jit(kernel)(*tuple(_d.values())))

</pallas_src>

<mosaic_0001>
#map = affine_map<(d0, d1) -> (0, 0)>
#map1 = affine_map<(d0, d1) -> (0)>
module attributes {stable_mosaic.version = 14 : i64} {
  func.func @_sc_rank_scatter(%arg0: i32, %arg1: i32, %arg2: memref<2048x768xf32, #tpu.memory_space<hbm>>, %arg3: memref<2048xi32, #tpu.memory_space<hbm>>, %arg4: memref<32x16xi32, #tpu.memory_space<hbm>>, %arg5: memref<2048xi32, #tpu.memory_space<hbm>>, %arg6: memref<3840x768xf32, #tpu.memory_space<hbm>>, %arg7: memref<64xi32, #tpu.memory_space<vmem>>, %arg8: memref<16xi32, #tpu.memory_space<vmem>>, %arg9: memref<64xi32, #tpu.memory_space<vmem>>, %arg10: memref<64x768xf32, #tpu.memory_space<vmem>>, %arg11: memref<!tpu.dma_semaphore, #tpu.memory_space<semaphore_mem>>) attributes {dimension_semantics = [#tpu.dimension_semantics<core_parallel>, #tpu.dimension_semantics<subcore_parallel>], iteration_bounds = array<i64: 2, 16>, scalar_prefetch = 0 : i64, scratch_operands = 5 : i64, tpu.core_type = #tpu.core_type<sc_vector_subcore>, window_params = [{transform_indices = #map}, {transform_indices = #map1}, {transform_indices = #map}, {transform_indices = #map1}, {transform_indices = #map}]} {
    %mul3A = arith.constant 2 : i32
    %mul3A_0 = arith.muli %arg1, %mul3A : i32
    %add3A = arith.addi %mul3A_0, %arg0 : i32
    %mul3A_1 = arith.constant 64 : i32
    %mul3A_2 = arith.muli %add3A, %mul3A_1 : i32
    "tpu.region"() ({
      %run_scoped3A = tpu.sem_alloc : memref<!tpu.dma_semaphore, #tpu.memory_space<semaphore_mem>>
      %dma_start3A_69 = tpu.memref_slice %arg3[%mul3A_2] : memref<2048xi32, #tpu.memory_space<hbm>> -> memref<64xi32, #tpu.memory_space<hbm>>
      %dma_start3A_70 = tpu.memref_slice %arg3[%mul3A_2] : memref<2048xi32, #tpu.memory_space<hbm>> -> memref<64xi32, #tpu.memory_space<hbm>>
      tpu.enqueue_dma source(%dma_start3A_70 : memref<64xi32, #tpu.memory_space<hbm>>) target(%arg7 : memref<64xi32, #tpu.memory_space<vmem>>) target_semaphore(%run_scoped3A : memref<!tpu.dma_semaphore, #tpu.memory_space<semaphore_mem>>)
      %dma_wait3A_71 = tpu.memref_slice %arg3[%mul3A_2] : memref<2048xi32, #tpu.memory_space<hbm>> -> memref<64xi32, #tpu.memory_space<hbm>>
      %dma_wait3A_72 = tpu.memref_slice %arg3[%mul3A_2] : memref<2048xi32, #tpu.memory_space<hbm>> -> memref<64xi32, #tpu.memory_space<hbm>>
      tpu.wait_dma2 semaphore(%run_scoped3A : memref<!tpu.dma_semaphore, #tpu.memory_space<semaphore_mem>>) src(%dma_wait3A_72 : memref<64xi32, #tpu.memory_space<hbm>>) dst(%arg7 : memref<64xi32, #tpu.memory_space<vmem>>)
      tpu.yield
    }) : () -> ()
    "tpu.region"() ({
      %run_scoped3A = tpu.sem_alloc : memref<!tpu.dma_semaphore, #tpu.memory_space<semaphore_mem>>
      %dma_start3A_69 = arith.constant 0 : i32
      %dma_start3A_70 = tpu.memref_slice %arg4[%add3A, %dma_start3A_69] : memref<32x16xi32, #tpu.memory_space<hbm>> -> memref<1x16xi32, #tpu.memory_space<hbm>>
      %dma_start3A_71 = tpu.memref_squeeze %dma_start3A_70 : memref<1x16xi32, #tpu.memory_space<hbm>> -> memref<16xi32, #tpu.memory_space<hbm>>
      %dma_start3A_72 = arith.constant 0 : i32
      %dma_start3A_73 = tpu.memref_slice %arg4[%add3A, %dma_start3A_72] : memref<32x16xi32, #tpu.memory_space<hbm>> -> memref<1x16xi32, #tpu.memory_space<hbm>>
      %dma_start3A_74 = tpu.memref_squeeze %dma_start3A_73 : memref<1x16xi32, #tpu.memory_space<hbm>> -> memref<16xi32, #tpu.memory_space<hbm>>
      tpu.enqueue_dma source(%dma_start3A_74 : memref<16xi32, #tpu.memory_space<hbm>>) target(%arg8 : memref<16xi32, #tpu.memory_space<vmem>>) target_semaphore(%run_scoped3A : memref<!tpu.dma_semaphore, #tpu.memory_space<semaphore_mem>>)
      %dma_wait3A_75 = arith.constant 0 : i32
      %dma_wait3A_76 = tpu.memref_slice %arg4[%add3A, %dma_wait3A_75] : memref<32x16xi32, #tpu.memory_space<hbm>> -> memref<1x16xi32, #tpu.memory_space<hbm>>
      %dma_wait3A_77 = tpu.memref_squeeze %dma_wait3A_76 : memref<1x16xi32, #tpu.memory_space<hbm>> -> memref<16xi32, #tpu.memory_space<hbm>>
      %dma_wait3A_78 = arith.constant 0 : i32
      %dma_wait3A_79 = tpu.memref_slice %arg4[%add3A, %dma_wait3A_78] : memref<32x16xi32, #tpu.memory_space<hbm>> -> memref<1x16xi32, #tpu.memory_space<hbm>>
      %dma_wait3A_80 = tpu.memref_squeeze %dma_wait3A_79 : memref<1x16xi32, #tpu.memory_space<hbm>> -> memref<16xi32, #tpu.memory_space<hbm>>
      tpu.wait_dma2 semaphore(%run_scoped3A : memref<!tpu.dma_semaphore, #tpu.memory_space<semaphore_mem>>) src(%dma_wait3A_80 : memref<16xi32, #tpu.memory_space<hbm>>) dst(%arg8 : memref<16xi32, #tpu.memory_space<vmem>>)
      tpu.yield
    }) : () -> ()
    %get3A = arith.constant 0 : index
    %get3A_3 = tpu.vector_load %arg7[%get3A] {strides = array<i32>} : memref<64xi32, #tpu.memory_space<vmem>>, vector<16xi32>,
    %broadcast_in_dim3A = arith.constant true
    %broadcast_in_dim3A_4 = vector.broadcast %broadcast_in_dim3A : i1 to vector<16xi1>
    %unique3A, %unique3A_5 = tpu.scan_count mask(%broadcast_in_dim3A_4 : vector<16xi1>) value(%get3A_3 : vector<16xi32>) : vector<16xi1>, vector<16xi32>
    %gather3A = tpu.vector_load_idx %arg8[%get3A_3] : memref<16xi32, #tpu.memory_space<vmem>>[vector<16xi32>], vector<16xi32>,
    %add3A_6 = arith.addi %gather3A, %unique3A_5 : vector<16xi32>
    %sub3A = arith.constant 1 : i32
    %sub3A_7 = vector.broadcast %sub3A : i32 to vector<16xi32>
    %sub3A_8 = arith.subi %add3A_6, %sub3A_7 : vector<16xi32>
    %swap3A = arith.constant 0 : index
    %swap3A_9 = tpu.vector_load %arg9[%swap3A] {strides = array<i32>} : memref<64xi32, #tpu.memory_space<vmem>>, vector<16xi32>,
    tpu.vector_store %arg9[%swap3A], %sub3A_8 {strides = array<i32>} : memref<64xi32, #tpu.memory_space<vmem>>, vector<16xi32>,
    %add3A_10 = arith.constant 1 : i32
    %add3A_11 = vector.broadcast %add3A_10 : i32 to vector<16xi32>
    %add3A_12 = arith.addi %sub3A_8, %add3A_11 : vector<16xi32>
    tpu.vector_store_idx %arg8[%get3A_3], %add3A_12 masked %unique3A : memref<16xi32, #tpu.memory_space<vmem>>[vector<16xi32>], vector<16xi32>, vector<16xi1>
    %get3A_13 = arith.constant 16 : index
    %get3A_14 = tpu.vector_load %arg7[%get3A_13] {strides = array<i32>} : memref<64xi32, #tpu.memory_space<vmem>>, vector<16xi32>,
    %broadcast_in_dim3A_15 = arith.constant true
    %broadcast_in_dim3A_16 = vector.broadcast %broadcast_in_dim3A_15 : i1 to vector<16xi1>
    %unique3A_17, %unique3A_18 = tpu.scan_count mask(%broadcast_in_dim3A_16 : vector<16xi1>) value(%get3A_14 : vector<16xi32>) : vector<16xi1>, vector<16xi32>
    %gather3A_19 = tpu.vector_load_idx %arg8[%get3A_14] : memref<16xi32, #tpu.memory_space<vmem>>[vector<16xi32>], vector<16xi32>,
    %add3A_20 = arith.addi %gather3A_19, %unique3A_18 : vector<16xi32>
    %sub3A_21 = arith.constant 1 : i32
    %sub3A_22 = vector.broadcast %sub3A_21 : i32 to vector<16xi32>
    %sub3A_23 = arith.subi %add3A_20, %sub3A_22 : vector<16xi32>
    %swap3A_24 = arith.constant 16 : index
    %swap3A_25 = tpu.vector_load %arg9[%swap3A_24] {strides = array<i32>} : memref<64xi32, #tpu.memory_space<vmem>>, vector<16xi32>,
    tpu.vector_store %arg9[%swap3A_24], %sub3A_23 {strides = array<i32>} : memref<64xi32, #tpu.memory_space<vmem>>, vector<16xi32>,
    %add3A_26 = arith.constant 1 : i32
    %add3A_27 = vector.broadcast %add3A_26 : i32 to vector<16xi32>
    %add3A_28 = arith.addi %sub3A_23, %add3A_27 : vector<16xi32>
    tpu.vector_store_idx %arg8[%get3A_14], %add3A_28 masked %unique3A_17 : memref<16xi32, #tpu.memory_space<vmem>>[vector<16xi32>], vector<16xi32>, vector<16xi1>
    %get3A_29 = arith.constant 32 : index
    %get3A_30 = tpu.vector_load %arg7[%get3A_29] {strides = array<i32>} : memref<64xi32, #tpu.memory_space<vmem>>, vector<16xi32>,
    %broadcast_in_dim3A_31 = arith.constant true
    %broadcast_in_dim3A_32 = vector.broadcast %broadcast_in_dim3A_31 : i1 to vector<16xi1>
    %unique3A_33, %unique3A_34 = tpu.scan_count mask(%broadcast_in_dim3A_32 : vector<16xi1>) value(%get3A_30 : vector<16xi32>) : vector<16xi1>, vector<16xi32>
    %gather3A_35 = tpu.vector_load_idx %arg8[%get3A_30] : memref<16xi32, #tpu.memory_space<vmem>>[vector<16xi32>], vector<16xi32>,
    %add3A_36 = arith.addi %gather3A_35, %unique3A_34 : vector<16xi32>
    %sub3A_37 = arith.constant 1 : i32
    %sub3A_38 = vector.broadcast %sub3A_37 : i32 to vector<16xi32>
    %sub3A_39 = arith.subi %add3A_36, %sub3A_38 : vector<16xi32>
    %swap3A_40 = arith.constant 32 : index
    %swap3A_41 = tpu.vector_load %arg9[%swap3A_40] {strides = array<i32>} : memref<64xi32, #tpu.memory_space<vmem>>, vector<16xi32>,
    tpu.vector_store %arg9[%swap3A_40], %sub3A_39 {strides = array<i32>} : memref<64xi32, #tpu.memory_space<vmem>>, vector<16xi32>,
    %add3A_42 = arith.constant 1 : i32
    %add3A_43 = vector.broadcast %add3A_42 : i32 to vector<16xi32>
    %add3A_44 = arith.addi %sub3A_39, %add3A_43 : vector<16xi32>
    tpu.vector_store_idx %arg8[%get3A_30], %add3A_44 masked %unique3A_33 : memref<16xi32, #tpu.memory_space<vmem>>[vector<16xi32>], vector<16xi32>, vector<16xi1>
    %get3A_45 = arith.constant 48 : index
    %get3A_46 = tpu.vector_load %arg7[%get3A_45] {strides = array<i32>} : memref<64xi32, #tpu.memory_space<vmem>>, vector<16xi32>,
    %broadcast_in_dim3A_47 = arith.constant true
    %broadcast_in_dim3A_48 = vector.broadcast %broadcast_in_dim3A_47 : i1 to vector<16xi1>
    %unique3A_49, %unique3A_50 = tpu.scan_count mask(%broadcast_in_dim3A_48 : vector<16xi1>) value(%get3A_46 : vector<16xi32>) : vector<16xi1>, vector<16xi32>
    %gather3A_51 = tpu.vector_load_idx %arg8[%get3A_46] : memref<16xi32, #tpu.memory_space<vmem>>[vector<16xi32>], vector<16xi32>,
    %add3A_52 = arith.addi %gather3A_51, %unique3A_50 : vector<16xi32>
    %sub3A_53 = arith.constant 1 : i32
    %sub3A_54 = vector.broadcast %sub3A_53 : i32 to vector<16xi32>
    %sub3A_55 = arith.subi %add3A_52, %sub3A_54 : vector<16xi32>
    %swap3A_56 = arith.constant 48 : index
    %swap3A_57 = tpu.vector_load %arg9[%swap3A_56] {strides = array<i32>} : memref<64xi32, #tpu.memory_space<vmem>>, vector<16xi32>,
    tpu.vector_store %arg9[%swap3A_56], %sub3A_55 {strides = array<i32>} : memref<64xi32, #tpu.memory_space<vmem>>, vector<16xi32>,
    %add3A_58 = arith.constant 1 : i32
    %add3A_59 = vector.broadcast %add3A_58 : i32 to vector<16xi32>
    %add3A_60 = arith.addi %sub3A_55, %add3A_59 : vector<16xi32>
    tpu.vector_store_idx %arg8[%get3A_46], %add3A_60 masked %unique3A_49 : memref<16xi32, #tpu.memory_space<vmem>>[vector<16xi32>], vector<16xi32>, vector<16xi1>
    %mul3A_61 = arith.constant 64 : i32
    %mul3A_62 = arith.muli %add3A, %mul3A_61 : i32
    "tpu.region"() ({
      %run_scoped3A = tpu.sem_alloc : memref<!tpu.dma_semaphore, #tpu.memory_space<semaphore_mem>>
      %dma_start3A_69 = tpu.memref_slice %arg5[%mul3A_62] : memref<2048xi32, #tpu.memory_space<hbm>> -> memref<64xi32, #tpu.memory_space<hbm>>
      %dma_start3A_70 = tpu.memref_slice %arg5[%mul3A_62] : memref<2048xi32, #tpu.memory_space<hbm>> -> memref<64xi32, #tpu.memory_space<hbm>>
      tpu.enqueue_dma source(%arg9 : memref<64xi32, #tpu.memory_space<vmem>>) target(%dma_start3A_70 : memref<64xi32, #tpu.memory_space<hbm>>) target_semaphore(%run_scoped3A : memref<!tpu.dma_semaphore, #tpu.memory_space<semaphore_mem>>)
      %dma_wait3A_71 = tpu.memref_slice %arg5[%mul3A_62] : memref<2048xi32, #tpu.memory_space<hbm>> -> memref<64xi32, #tpu.memory_space<hbm>>
      %dma_wait3A_72 = tpu.memref_slice %arg5[%mul3A_62] : memref<2048xi32, #tpu.memory_space<hbm>> -> memref<64xi32, #tpu.memory_space<hbm>>
      tpu.wait_dma2 semaphore(%run_scoped3A : memref<!tpu.dma_semaphore, #tpu.memory_space<semaphore_mem>>) src(%arg9 : memref<64xi32, #tpu.memory_space<vmem>>) dst(%dma_wait3A_72 : memref<64xi32, #tpu.memory_space<hbm>>)
      tpu.yield
    }) : () -> ()
    %mul3A_63 = arith.constant 64 : i32
    %mul3A_64 = arith.muli %add3A, %mul3A_63 : i32
    "tpu.region"() ({
      %run_scoped3A = tpu.sem_alloc : memref<!tpu.dma_semaphore, #tpu.memory_space<semaphore_mem>>
      %dma_start3A_69 = arith.constant 0 : i32
      %dma_start3A_70 = tpu.memref_slice %arg2[%mul3A_64, %dma_start3A_69] : memref<2048x768xf32, #tpu.memory_space<hbm>> -> memref<64x768xf32, #tpu.memory_space<hbm>>
      %dma_start3A_71 = arith.constant 0 : i32
      %dma_start3A_72 = tpu.memref_slice %arg2[%mul3A_64, %dma_start3A_71] : memref<2048x768xf32, #tpu.memory_space<hbm>> -> memref<64x768xf32, #tpu.memory_space<hbm>>
      tpu.enqueue_dma source(%dma_start3A_72 : memref<64x768xf32, #tpu.memory_space<hbm>>) target(%arg10 : memref<64x768xf32, #tpu.memory_space<vmem>>) target_semaphore(%run_scoped3A : memref<!tpu.dma_semaphore, #tpu.memory_space<semaphore_mem>>)
      %dma_wait3A_73 = arith.constant 0 : i32
      %dma_wait3A_74 = tpu.memref_slice %arg2[%mul3A_64, %dma_wait3A_73] : memref<2048x768xf32, #tpu.memory_space<hbm>> -> memref<64x768xf32, #tpu.memory_space<hbm>>
      %dma_wait3A_75 = arith.constant 0 : i32
      %dma_wait3A_76 = tpu.memref_slice %arg2[%mul3A_64, %dma_wait3A_75] : memref<2048x768xf32, #tpu.memory_space<hbm>> -> memref<64x768xf32, #tpu.memory_space<hbm>>
      tpu.wait_dma2 semaphore(%run_scoped3A : memref<!tpu.dma_semaphore, #tpu.memory_space<semaphore_mem>>) src(%dma_wait3A_76 : memref<64x768xf32, #tpu.memory_space<hbm>>) dst(%arg10 : memref<64x768xf32, #tpu.memory_space<vmem>>)
      tpu.yield
    }) : () -> ()
    %dma_start3A = arith.constant 0 : i32
    %dma_start3A_65 = arith.constant 0 : i32
    %dma_start3A_66 = tpu.memref_slice %arg6[%dma_start3A, %dma_start3A_65] : memref<3840x768xf32, #tpu.memory_space<hbm>> -> memref<3840x768xf32, #tpu.memory_space<hbm>>
    tpu.enqueue_indirect_dma source(%arg10 : memref<64x768xf32, #tpu.memory_space<vmem>>) target(%dma_start3A_66 : memref<3840x768xf32, #tpu.memory_space<hbm>>) offsets(%arg9 : memref<64xi32, #tpu.memory_space<vmem>>) semaphore(%arg11 : memref<!tpu.dma_semaphore, #tpu.memory_space<semaphore_mem>>)
    %dma_wait3A = arith.constant 0 : i32
    %dma_wait3A_67 = arith.constant 0 : i32
    %dma_wait3A_68 = tpu.memref_slice %arg6[%dma_wait3A, %dma_wait3A_67] : memref<3840x768xf32, #tpu.memory_space<hbm>> -> memref<3840x768xf32, #tpu.memory_space<hbm>>
    tpu.wait_indirect_dma semaphore(%arg11 : memref<!tpu.dma_semaphore, #tpu.memory_space<semaphore_mem>>) src(%arg10 : memref<64x768xf32, #tpu.memory_space<vmem>>) dst(%dma_wait3A_68 : memref<3840x768xf32, #tpu.memory_space<hbm>>)
    return
  }
}

#map = affine_map<(d0, d1) -> (0)>
#map1 = affine_map<(d0, d1) -> (0, 0)>
module attributes {stable_mosaic.version = 14 : i64} {
  func.func @_sc_hist(%arg0: i32, %arg1: i32, %arg2: memref<2048xi32, #tpu.memory_space<hbm>>, %arg3: memref<32x16xi32, #tpu.memory_space<hbm>>, %arg4: memref<64xi32, #tpu.memory_space<vmem>>, %arg5: memref<16xi32, #tpu.memory_space<vmem>>) attributes {dimension_semantics = [#tpu.dimension_semantics<core_parallel>, #tpu.dimension_semantics<subcore_parallel>], iteration_bounds = array<i64: 2, 16>, scalar_prefetch = 0 : i64, scratch_operands = 2 : i64, tpu.core_type = #tpu.core_type<sc_vector_subcore>, window_params = [{transform_indices = #map}, {transform_indices = #map1}]} {
    %mul3A = arith.constant 2 : i32
    %mul3A_0 = arith.muli %arg1, %mul3A : i32
    %add3A = arith.addi %mul3A_0, %arg0 : i32
    %mul3A_1 = arith.constant 64 : i32
    %mul3A_2 = arith.muli %add3A, %mul3A_1 : i32
    "tpu.region"() ({
      %run_scoped3A = tpu.sem_alloc : memref<!tpu.dma_semaphore, #tpu.memory_space<semaphore_mem>>
      %dma_start3A = tpu.memref_slice %arg2[%mul3A_2] : memref<2048xi32, #tpu.memory_space<hbm>> -> memref<64xi32, #tpu.memory_space<hbm>>
      %dma_start3A_34 = tpu.memref_slice %arg2[%mul3A_2] : memref<2048xi32, #tpu.memory_space<hbm>> -> memref<64xi32, #tpu.memory_space<hbm>>
      tpu.enqueue_dma source(%dma_start3A_34 : memref<64xi32, #tpu.memory_space<hbm>>) target(%arg4 : memref<64xi32, #tpu.memory_space<vmem>>) target_semaphore(%run_scoped3A : memref<!tpu.dma_semaphore, #tpu.memory_space<semaphore_mem>>)
      %dma_wait3A = tpu.memref_slice %arg2[%mul3A_2] : memref<2048xi32, #tpu.memory_space<hbm>> -> memref<64xi32, #tpu.memory_space<hbm>>
      %dma_wait3A_35 = tpu.memref_slice %arg2[%mul3A_2] : memref<2048xi32, #tpu.memory_space<hbm>> -> memref<64xi32, #tpu.memory_space<hbm>>
      tpu.wait_dma2 semaphore(%run_scoped3A : memref<!tpu.dma_semaphore, #tpu.memory_space<semaphore_mem>>) src(%dma_wait3A_35 : memref<64xi32, #tpu.memory_space<hbm>>) dst(%arg4 : memref<64xi32, #tpu.memory_space<vmem>>)
      tpu.yield
    }) : () -> ()
    %broadcast_in_dim3A = arith.constant 0 : i32
    %broadcast_in_dim3A_3 = vector.broadcast %broadcast_in_dim3A : i32 to vector<16xi32>
    %swap3A = arith.constant 0 : index
    %swap3A_4 = tpu.vector_load %arg5[%swap3A] {strides = array<i32>} : memref<16xi32, #tpu.memory_space<vmem>>, vector<16xi32>,
    tpu.vector_store %arg5[%swap3A], %broadcast_in_dim3A_3 {strides = array<i32>} : memref<16xi32, #tpu.memory_space<vmem>>, vector<16xi32>,
    %get3A = arith.constant 0 : index
    %get3A_5 = tpu.vector_load %arg4[%get3A] {strides = array<i32>} : memref<64xi32, #tpu.memory_space<vmem>>, vector<16xi32>,
    %broadcast_in_dim3A_6 = arith.constant true
    %broadcast_in_dim3A_7 = vector.broadcast %broadcast_in_dim3A_6 : i1 to vector<16xi1>
    %unique3A, %unique3A_8 = tpu.scan_count mask(%broadcast_in_dim3A_7 : vector<16xi1>) value(%get3A_5 : vector<16xi32>) : vector<16xi1>, vector<16xi32>
    %gather3A = tpu.vector_load_idx %arg5[%get3A_5] : memref<16xi32, #tpu.memory_space<vmem>>[vector<16xi32>], vector<16xi32>,
    %add3A_9 = arith.addi %gather3A, %unique3A_8 : vector<16xi32>
    tpu.vector_store_idx %arg5[%get3A_5], %add3A_9 masked %unique3A : memref<16xi32, #tpu.memory_space<vmem>>[vector<16xi32>], vector<16xi32>, vector<16xi1>
    %get3A_10 = arith.constant 16 : index
    %get3A_11 = tpu.vector_load %arg4[%get3A_10] {strides = array<i32>} : memref<64xi32, #tpu.memory_space<vmem>>, vector<16xi32>,
    %broadcast_in_dim3A_12 = arith.constant true
    %broadcast_in_dim3A_13 = vector.broadcast %broadcast_in_dim3A_12 : i1 to vector<16xi1>
    %unique3A_14, %unique3A_15 = tpu.scan_count mask(%broadcast_in_dim3A_13 : vector<16xi1>) value(%get3A_11 : vector<16xi32>) : vector<16xi1>, vector<16xi32>
    %gather3A_16 = tpu.vector_load_idx %arg5[%get3A_11] : memref<16xi32, #tpu.memory_space<vmem>>[vector<16xi32>], vector<16xi32>,
    %add3A_17 = arith.addi %gather3A_16, %unique3A_15 : vector<16xi32>
    tpu.vector_store_idx %arg5[%get3A_11], %add3A_17 masked %unique3A_14 : memref<16xi32, #tpu.memory_space<vmem>>[vector<16xi32>], vector<16xi32>, vector<16xi1>
    %get3A_18 = arith.constant 32 : index
    %get3A_19 = tpu.vector_load %arg4[%get3A_18] {strides = array<i32>} : memref<64xi32, #tpu.memory_space<vmem>>, vector<16xi32>,
    %broadcast_in_dim3A_20 = arith.constant true
    %broadcast_in_dim3A_21 = vector.broadcast %broadcast_in_dim3A_20 : i1 to vector<16xi1>
    %unique3A_22, %unique3A_23 = tpu.scan_count mask(%broadcast_in_dim3A_21 : vector<16xi1>) value(%get3A_19 : vector<16xi32>) : vector<16xi1>, vector<16xi32>
    %gather3A_24 = tpu.vector_load_idx %arg5[%get3A_19] : memref<16xi32, #tpu.memory_space<vmem>>[vector<16xi32>], vector<16xi32>,
    %add3A_25 = arith.addi %gather3A_24, %unique3A_23 : vector<16xi32>
    tpu.vector_store_idx %arg5[%get3A_19], %add3A_25 masked %unique3A_22 : memref<16xi32, #tpu.memory_space<vmem>>[vector<16xi32>], vector<16xi32>, vector<16xi1>
    %get3A_26 = arith.constant 48 : index
    %get3A_27 = tpu.vector_load %arg4[%get3A_26] {strides = array<i32>} : memref<64xi32, #tpu.memory_space<vmem>>, vector<16xi32>,
    %broadcast_in_dim3A_28 = arith.constant true
    %broadcast_in_dim3A_29 = vector.broadcast %broadcast_in_dim3A_28 : i1 to vector<16xi1>
    %unique3A_30, %unique3A_31 = tpu.scan_count mask(%broadcast_in_dim3A_29 : vector<16xi1>) value(%get3A_27 : vector<16xi32>) : vector<16xi1>, vector<16xi32>
    %gather3A_32 = tpu.vector_load_idx %arg5[%get3A_27] : memref<16xi32, #tpu.memory_space<vmem>>[vector<16xi32>], vector<16xi32>,
    %add3A_33 = arith.addi %gather3A_32, %unique3A_31 : vector<16xi32>
    tpu.vector_store_idx %arg5[%get3A_27], %add3A_33 masked %unique3A_30 : memref<16xi32, #tpu.memory_space<vmem>>[vector<16xi32>], vector<16xi32>, vector<16xi1>
    "tpu.region"() ({
      %run_scoped3A = tpu.sem_alloc : memref<!tpu.dma_semaphore, #tpu.memory_space<semaphore_mem>>
      %dma_start3A = arith.constant 0 : i32
      %dma_start3A_34 = tpu.memref_slice %arg3[%add3A, %dma_start3A] : memref<32x16xi32, #tpu.memory_space<hbm>> -> memref<1x16xi32, #tpu.memory_space<hbm>>
      %dma_start3A_35 = tpu.memref_squeeze %dma_start3A_34 : memref<1x16xi32, #tpu.memory_space<hbm>> -> memref<16xi32, #tpu.memory_space<hbm>>
      %dma_start3A_36 = arith.constant 0 : i32
      %dma_start3A_37 = tpu.memref_slice %arg3[%add3A, %dma_start3A_36] : memref<32x16xi32, #tpu.memory_space<hbm>> -> memref<1x16xi32, #tpu.memory_space<hbm>>
      %dma_start3A_38 = tpu.memref_squeeze %dma_start3A_37 : memref<1x16xi32, #tpu.memory_space<hbm>> -> memref<16xi32, #tpu.memory_space<hbm>>
      tpu.enqueue_dma source(%arg5 : memref<16xi32, #tpu.memory_space<vmem>>) target(%dma_start3A_38 : memref<16xi32, #tpu.memory_space<hbm>>) target_semaphore(%run_scoped3A : memref<!tpu.dma_semaphore, #tpu.memory_space<semaphore_mem>>)
      %dma_wait3A = arith.constant 0 : i32
      %dma_wait3A_39 = tpu.memref_slice %arg3[%add3A, %dma_wait3A] : memref<32x16xi32, #tpu.memory_space<hbm>> -> memref<1x16xi32, #tpu.memory_space<hbm>>
      %dma_wait3A_40 = tpu.memref_squeeze %dma_wait3A_39 : memref<1x16xi32, #tpu.memory_space<hbm>> -> memref<16xi32, #tpu.memory_space<hbm>>
      %dma_wait3A_41 = arith.constant 0 : i32
      %dma_wait3A_42 = tpu.memref_slice %arg3[%add3A, %dma_wait3A_41] : memref<32x16xi32, #tpu.memory_space<hbm>> -> memref<1x16xi32, #tpu.memory_space<hbm>>
      %dma_wait3A_43 = tpu.memref_squeeze %dma_wait3A_42 : memref<1x16xi32, #tpu.memory_space<hbm>> -> memref<16xi32, #tpu.memory_space<hbm>>
      tpu.wait_dma2 semaphore(%run_scoped3A : memref<!tpu.dma_semaphore, #tpu.memory_space<semaphore_mem>>) src(%arg5 : memref<16xi32, #tpu.memory_space<vmem>>) dst(%dma_wait3A_43 : memref<16xi32, #tpu.memory_space<hbm>>)
      tpu.yield
    }) : () -> ()
    return
  }
}

#map = affine_map<(d0, d1) -> (0, 0)>
#map1 = affine_map<(d0, d1) -> (0)>
module attributes {stable_mosaic.version = 14 : i64} {
  func.func @_sc_gather_out(%arg0: i32, %arg1: i32, %arg2: memref<3840x768xf32, #tpu.memory_space<hbm>>, %arg3: memref<2048xi32, #tpu.memory_space<hbm>>, %arg4: memref<2048x768xf32, #tpu.memory_space<hbm>>, %arg5: memref<64xi32, #tpu.memory_space<vmem>>, %arg6: memref<64x768xf32, #tpu.memory_space<vmem>>, %arg7: memref<!tpu.dma_semaphore, #tpu.memory_space<semaphore_mem>>) attributes {dimension_semantics = [#tpu.dimension_semantics<core_parallel>, #tpu.dimension_semantics<subcore_parallel>], iteration_bounds = array<i64: 2, 16>, scalar_prefetch = 0 : i64, scratch_operands = 3 : i64, tpu.core_type = #tpu.core_type<sc_vector_subcore>, window_params = [{transform_indices = #map}, {transform_indices = #map1}, {transform_indices = #map}]} {
    %mul3A = arith.constant 2 : i32
    %mul3A_0 = arith.muli %arg1, %mul3A : i32
    %add3A = arith.addi %mul3A_0, %arg0 : i32
    %mul3A_1 = arith.constant 64 : i32
    %mul3A_2 = arith.muli %add3A, %mul3A_1 : i32
    "tpu.region"() ({
      %run_scoped3A = tpu.sem_alloc : memref<!tpu.dma_semaphore, #tpu.memory_space<semaphore_mem>>
      %dma_start3A_9 = tpu.memref_slice %arg3[%mul3A_2] : memref<2048xi32, #tpu.memory_space<hbm>> -> memref<64xi32, #tpu.memory_space<hbm>>
      %dma_start3A_10 = tpu.memref_slice %arg3[%mul3A_2] : memref<2048xi32, #tpu.memory_space<hbm>> -> memref<64xi32, #tpu.memory_space<hbm>>
      tpu.enqueue_dma source(%dma_start3A_10 : memref<64xi32, #tpu.memory_space<hbm>>) target(%arg5 : memref<64xi32, #tpu.memory_space<vmem>>) target_semaphore(%run_scoped3A : memref<!tpu.dma_semaphore, #tpu.memory_space<semaphore_mem>>)
      %dma_wait3A_11 = tpu.memref_slice %arg3[%mul3A_2] : memref<2048xi32, #tpu.memory_space<hbm>> -> memref<64xi32, #tpu.memory_space<hbm>>
      %dma_wait3A_12 = tpu.memref_slice %arg3[%mul3A_2] : memref<2048xi32, #tpu.memory_space<hbm>> -> memref<64xi32, #tpu.memory_space<hbm>>
      tpu.wait_dma2 semaphore(%run_scoped3A : memref<!tpu.dma_semaphore, #tpu.memory_space<semaphore_mem>>) src(%dma_wait3A_12 : memref<64xi32, #tpu.memory_space<hbm>>) dst(%arg5 : memref<64xi32, #tpu.memory_space<vmem>>)
      tpu.yield
    }) : () -> ()
    %dma_start3A = arith.constant 0 : i32
    %dma_start3A_3 = arith.constant 0 : i32
    %dma_start3A_4 = tpu.memref_slice %arg2[%dma_start3A, %dma_start3A_3] : memref<3840x768xf32, #tpu.memory_space<hbm>> -> memref<3840x768xf32, #tpu.memory_space<hbm>>
    tpu.enqueue_indirect_dma source(%dma_start3A_4 : memref<3840x768xf32, #tpu.memory_space<hbm>>) target(%arg6 : memref<64x768xf32, #tpu.memory_space<vmem>>) offsets(%arg5 : memref<64xi32, #tpu.memory_space<vmem>>) semaphore(%arg7 : memref<!tpu.dma_semaphore, #tpu.memory_space<semaphore_mem>>)
    %dma_wait3A = arith.constant 0 : i32
    %dma_wait3A_5 = arith.constant 0 : i32
    %dma_wait3A_6 = tpu.memref_slice %arg2[%dma_wait3A, %dma_wait3A_5] : memref<3840x768xf32, #tpu.memory_space<hbm>> -> memref<3840x768xf32, #tpu.memory_space<hbm>>
    tpu.wait_indirect_dma semaphore(%arg7 : memref<!tpu.dma_semaphore, #tpu.memory_space<semaphore_mem>>) src(%dma_wait3A_6 : memref<3840x768xf32, #tpu.memory_space<hbm>>) dst(%arg6 : memref<64x768xf32, #tpu.memory_space<vmem>>)
    %mul3A_7 = arith.constant 64 : i32
    %mul3A_8 = arith.muli %add3A, %mul3A_7 : i32
    "tpu.region"() ({
      %run_scoped3A = tpu.sem_alloc : memref<!tpu.dma_semaphore, #tpu.memory_space<semaphore_mem>>
      %dma_start3A_9 = arith.constant 0 : i32
      %dma_start3A_10 = tpu.memref_slice %arg4[%mul3A_8, %dma_start3A_9] : memref<2048x768xf32, #tpu.memory_space<hbm>> -> memref<64x768xf32, #tpu.memory_space<hbm>>
      %dma_start3A_11 = arith.constant 0 : i32
      %dma_start3A_12 = tpu.memref_slice %arg4[%mul3A_8, %dma_start3A_11] : memref<2048x768xf32, #tpu.memory_space<hbm>> -> memref<64x768xf32, #tpu.memory_space<hbm>>
      tpu.enqueue_dma source(%arg6 : memref<64x768xf32, #tpu.memory_space<vmem>>) target(%dma_start3A_12 : memref<64x768xf32, #tpu.memory_space<hbm>>) target_semaphore(%run_scoped3A : memref<!tpu.dma_semaphore, #tpu.memory_space<semaphore_mem>>)
      %dma_wait3A_13 = arith.constant 0 : i32
      %dma_wait3A_14 = tpu.memref_slice %arg4[%mul3A_8, %dma_wait3A_13] : memref<2048x768xf32, #tpu.memory_space<hbm>> -> memref<64x768xf32, #tpu.memory_space<hbm>>
      %dma_wait3A_15 = arith.constant 0 : i32
      %dma_wait3A_16 = tpu.memref_slice %arg4[%mul3A_8, %dma_wait3A_15] : memref<2048x768xf32, #tpu.memory_space<hbm>> -> memref<64x768xf32, #tpu.memory_space<hbm>>
      tpu.wait_dma2 semaphore(%run_scoped3A : memref<!tpu.dma_semaphore, #tpu.memory_space<semaphore_mem>>) src(%arg6 : memref<64x768xf32, #tpu.memory_space<vmem>>) dst(%dma_wait3A_16 : memref<64x768xf32, #tpu.memory_space<hbm>>)
      tpu.yield
    }) : () -> ()
    return
  }
}

module attributes {stable_mosaic.version = 14 : i64} {
  func.func @_gemm_body(%arg0: i32, %arg1: i32, %arg2: memref<15xi32, #tpu.memory_space<smem>>, %arg3: memref<1xi32, #tpu.memory_space<smem>>, %arg4: memref<256x768xf32, #tpu.memory_space<vmem>>, %arg5: memref<1x768x512xf32, #tpu.memory_space<vmem>>, %arg6: memref<1x512x768xf32, #tpu.memory_space<vmem>>, %arg7: memref<3840x768xf32, #tpu.memory_space<vmem>>) attributes {dimension_semantics = [#tpu.dimension_semantics<arbitrary>, #tpu.dimension_semantics<arbitrary>], iteration_bounds = array<i64: 6, 15>, scalar_prefetch = 2 : i64, scratch_operands = 0 : i64, tpu.core_type = #tpu.core_type<tc>, window_params = [{transform_indices = @transform_0, window_bounds = array<i64: 256, 768>}, {transform_indices = @transform_1, window_bounds = array<i64: 1, 768, 512>}, {transform_indices = @transform_2, window_bounds = array<i64: 1, 512, 768>}, {pipeline_mode = #tpu.pipeline_mode<synchronous>, transform_indices = @transform_3, window_bounds = array<i64: 3840, 768>}]} {
    %get3A = arith.constant 0 : index
    %get3A_0 = memref.load %arg3[%get3A] : memref<1xi32, #tpu.memory_space<smem>>
    %lt3A = arith.cmpi slt, %arg1, %get3A_0 : i32
    %convert_element_type3A = arith.extui %lt3A : i1 to i32
    %cond3A = arith.constant 0 : i32
    %cond3A_1 = arith.cmpi ne, %convert_element_type3A, %cond3A : i32
    scf.if %cond3A_1 {
      %get3A_2 = arith.constant 0 : index
      %get3A_3 = arith.constant 0 : index
      %get3A_4 = vector.load %arg4[%get3A_2, %get3A_3] : memref<256x768xf32, #tpu.memory_space<vmem>>, vector<256x768xf32>
      %get3A_5 = arith.constant 0 : index
      %get3A_6 = arith.constant 0 : index
      %get3A_7 = arith.constant 0 : index
      %get3A_8 = vector.load %arg5[%get3A_5, %get3A_6, %get3A_7] : memref<1x768x512xf32, #tpu.memory_space<vmem>>, vector<1x768x512xf32>
      %get3A_9 = vector.shape_cast %get3A_8 : vector<1x768x512xf32> to vector<768x512xf32>
      %dot_general3A = arith.constant dense<0.000000e+00> : vector<256x512xf32>
      %dot_general3A_10 = tpu.matmul %get3A_4, %get3A_9, %dot_general3A {dimension_numbers = #tpu.dot_dimension_numbers<[1], [0], [0], [1], [0, 0, 1, 1], [], []>, transpose_lhs_hint = false} : vector<256x768xf32>, vector<768x512xf32>, vector<256x512xf32> -> vector<256x512xf32>
      %max3A = arith.constant 0.000000e+00 : f32
      %max3A_11 = vector.broadcast %max3A : f32 to vector<256x512xf32>
      %max3A_12 = arith.maximumf %dot_general3A_10, %max3A_11 : vector<256x512xf32>
      %get3A_13 = arith.constant 0 : index
      %get3A_14 = arith.constant 0 : index
      %get3A_15 = arith.constant 0 : index
      %get3A_16 = vector.load %arg6[%get3A_13, %get3A_14, %get3A_15] : memref<1x512x768xf32, #tpu.memory_space<vmem>>, vector<1x512x768xf32>
      %get3A_17 = vector.shape_cast %get3A_16 : vector<1x512x768xf32> to vector<512x768xf32>
      %dot_general3A_18 = arith.constant dense<0.000000e+00> : vector<256x768xf32>
      %dot_general3A_19 = tpu.matmul %max3A_12, %get3A_17, %dot_general3A_18 {dimension_numbers = #tpu.dot_dimension_numbers<[1], [0], [0], [1], [0, 0, 1, 1], [], []>, transpose_lhs_hint = false} : vector<256x512xf32>, vector<512x768xf32>, vector<256x768xf32> -> vector<256x768xf32>
      %mul3A = arith.constant 256 : i32
      %mul3A_20 = arith.muli %arg1, %mul3A : i32
      %eq3A = arith.constant 0 : i32
      %eq3A_21 = arith.cmpi eq, %arg0, %eq3A : i32
      %convert_element_type3A_22 = arith.extui %eq3A_21 : i1 to i32
      %cond3A_23 = arith.constant 0 : i32
      %cond3A_24 = arith.cmpi ne, %convert_element_type3A_22, %cond3A_23 : i32
      scf.if %cond3A_24 {
        %swap3A = arith.index_cast %mul3A_20 : i32 to index
        %swap3A_29 = arith.constant 0 : index
        %swap3A_30 = vector.load %arg7[%swap3A, %swap3A_29] : memref<3840x768xf32, #tpu.memory_space<vmem>>, vector<256x768xf32>
        tpu.vector_store %arg7[%swap3A, %swap3A_29], %dot_general3A_19 {strides = array<i32>} : memref<3840x768xf32, #tpu.memory_space<vmem>>, vector<256x768xf32>,
      } else {
      }
      %gt3A = arith.constant 0 : i32
      %gt3A_25 = arith.cmpi sgt, %arg0, %gt3A : i32
      %convert_element_type3A_26 = arith.extui %gt3A_25 : i1 to i32
      %cond3A_27 = arith.constant 0 : i32
      %cond3A_28 = arith.cmpi ne, %convert_element_type3A_26, %cond3A_27 : i32
      scf.if %cond3A_28 {
        %get3A_29 = arith.index_cast %mul3A_20 : i32 to index
        %get3A_30 = arith.constant 0 : index
        %get3A_31 = vector.load %arg7[%get3A_29, %get3A_30] : memref<3840x768xf32, #tpu.memory_space<vmem>>, vector<256x768xf32>
        %add3A = arith.addf %get3A_31, %dot_general3A_19 : vector<256x768xf32>
        %swap3A = arith.index_cast %mul3A_20 : i32 to index
        %swap3A_32 = arith.constant 0 : index
        %swap3A_33 = vector.load %arg7[%swap3A, %swap3A_32] : memref<3840x768xf32, #tpu.memory_space<vmem>>, vector<256x768xf32>
        tpu.vector_store %arg7[%swap3A, %swap3A_32], %add3A {strides = array<i32>} : memref<3840x768xf32, #tpu.memory_space<vmem>>, vector<256x768xf32>,
      } else {
      }
    } else {
    }
    return
  }
  func.func @transform_0(%arg0: i32, %arg1: i32, %arg2: memref<15xi32, #tpu.memory_space<smem>>, %arg3: memref<1xi32, #tpu.memory_space<smem>>) -> (i32, i32) {
    %c0_i32 = arith.constant 0 : i32
    %c0_i32_0 = arith.constant 0 : i32
    return %arg1, %c0_i32 : i32, i32
  }
  func.func @transform_1(%arg0: i32, %arg1: i32, %arg2: memref<15xi32, #tpu.memory_space<smem>>, %arg3: memref<1xi32, #tpu.memory_space<smem>>) -> (i32, i32, i32) {
    %get3A = arith.index_cast %arg1 : i32 to index
    %get3A_0 = memref.load %arg2[%get3A] : memref<15xi32, #tpu.memory_space<smem>>
    %c0_i32 = arith.constant 0 : i32
    %c0_i32_1 = arith.constant 0 : i32
    return %get3A_0, %c0_i32, %arg0 : i32, i32, i32
  }
  func.func @transform_2(%arg0: i32, %arg1: i32, %arg2: memref<15xi32, #tpu.memory_space<smem>>, %arg3: memref<1xi32, #tpu.memory_space<smem>>) -> (i32, i32, i32) {
    %get3A = arith.index_cast %arg1 : i32 to index
    %get3A_0 = memref.load %arg2[%get3A] : memref<15xi32, #tpu.memory_space<smem>>
    %c0_i32 = arith.constant 0 : i32
    %c0_i32_1 = arith.constant 0 : i32
    return %get3A_0, %arg0, %c0_i32 : i32, i32, i32
  }
  func.func @transform_3(%arg0: i32, %arg1: i32, %arg2: memref<15xi32, #tpu.memory_space<smem>>, %arg3: memref<1xi32, #tpu.memory_space<smem>>) -> (i32, i32) {
    %c0_i32 = arith.constant 0 : i32
    %c0_i32_0 = arith.constant 0 : i32
    %c0_i32_1 = arith.constant 0 : i32
    return %c0_i32, %c0_i32_0 : i32, i32
  }
}

</mosaic_0001>

<sc_bundles>
// kernel: kernel.12.cloned.1.call-start
scs
__scs_entry_jumppad:
0x0: {  	(pc) =	sbr.rel $0x88, $3  }
0x1: {  	(tag) =	ssettag $0x0;
	lr =	simm.s32 $0x1  }
0x2: {  	[smem:$0x3F9D] =	sst lr;
	_ =	strace $0xD0000000  }
0x3: {  	_ = 	snop  }
0x4: {  	_ = 	snop  }
0x5: {  	_ = 	snop  }
0x6: {  	_ = 	snop  }
0x7: {  	_ = 	snop  }
__scs_overlays_trampoline_lowered:
0x8: {  	[smem:$0x3FAC] =	sst s0  }
0x9: {  	[smem:$0x3FAD] =	sst s1  }
0xa: {  	[smem:$0x3FAE] =	sst s2  }
0xb: {  	[smem:$0x3FAF] =	sst s3  }
0xc: {  	[smem:$0x3FB0] =	sst s4  }
0xd: {  	[smem:$0x3FB1] =	sst s5  }
0xe: {  	[smem:$0x3FB2] =	sst s6  }
0xf: {  	[smem:$0x3FB3] =	sst s7  }
0x10: {  	[smem:$0x3FB4] =	sst s8  }
0x11: {  	[smem:$0x3FB5] =	sst s9;
	s0 =	simm.s32 @!p0 $0x0  }
0x12: {  	s1 =	sld [smem:$0x3F9B];
	s0 =	simm.s32 @p0 $0x1  }
0x13: {  	[smem:$0x3FB6] =	sst s0;
	s0 =	simm.s32 @!p1 $0x0  }
0x14: {  	s2 =	sld [smem:$0x3F9A];
	s0 =	simm.s32 @p1 $0x1  }
0x15: {  	[smem:$0x3FB7] =	sst s0;
	s0 =	simm.s32 @!p2 $0x0  }
0x16: {  	s3 =	sld [smem:$0x3FDB];
	s0 =	simm.s32 @p2 $0x1  }
0x17: {  	s4 =	simm.s32 $0x1BF5;
	[smem:$0x3FB9] =	sst s0  }
0x18: {  	s0 =	sld [smem:$0x3F9C];
	_ =	swait.ge [sflag:s4], $0x0  }
0x19: {  	s7 =	sld [smem:$0x3F9D]  }
0x1a: {  	s8 =	sadd.s32 $0xFFFFE003, lr  }
0x1b: {  	s9 =	sadd.s32 $0xFFFFFEF7, lr;
	s5 =	simm.s32 $0xFFFFFFFF;
	p2 =	slt.u32 s8, $0xFFFFF086  }
0x1c: {  	p1 =	slt.u32 s9, $0xF7A;
	s5 =	simm.s32 @!p2 $0x0  }
0x1d: {  	s5 =	simm.s32 @p1 $0x1;
	p0 =	seq.s32 s7, s2  }
0x1e: {  	s7 =	smul.u32 @!p0 $0xF7A, s2;
	p2 =	seq.s32 @!p0 s5, $0x0  }
0x1f: {  	s9 =	smul.u32 $0xF7A, s1;
	s8 =	simm.s32 @!p0 $0x1BF5;
	p2 =	por !p2, p0  }
0x20: {  	[sflag:s8] =	ssyncset.s32 @!p0 $0xFFFFF086;
	s6 =	sadd.s32 @!p0 s3, s7;
	s7 =	simm.s32 @!p0 $0x108  }
0x21: {  	s3 =	sadd.s32 s3, s9;
	s6 =	sadd.s32 @!p0 $0x88, s6;
	s7 =	simm.s32 @p2 $0x1082  }
0x22: {  	[simem:s7], [sflag:s8] =	dma.local @!p0 [hbm:s6], $0xF7A  }
0x23: {  	s9 =	sor.u32 $0xD0000000, s2;
	s6 =	simm.s32 $0x108;
	_ =	swait.ge @!p0 [sflag:s8], $0x0  }
0x24: {  	s3 =	sadd.s32 $0x88, s3;
	s6 =	simm.s32 @!p1 $0x1082;
	[sflag:s4] =	ssyncset.s32 $0xFFFFF086  }
0x25: {  	[simem:s6], [sflag:s4] =	dma.local [hbm:s3], $0xF7A  }
0x26: {  	[smem:$0x3F9D] =	sst s1;
	(tag) =	ssettag s2;
	_ =	strace s9  }
0x27: {  	s1 =	sld [smem:$0x3FAD]  }
0x28: {  	s2 =	sld [smem:$0x3FAE]  }
0x29: {  	s4 =	sld [smem:$0x3FB0]  }
0x2a: {  	p0 =	seq.s32 s5, $0x0;
	s5 =	sld [smem:$0x3FB1]  }
0x2b: {  	s6 =	sld [smem:$0x3FB2]  }
0x2c: {  	s7 =	sld [smem:$0x3FB3]  }
0x2d: {  	s3 =	simm.s32 $0x108;
	s8 =	sld [smem:$0x3FB4]  }
0x2e: {  	s3 =	simm.s32 @!p0 $0x1082;
	s9 =	sld [smem:$0x3FB5]  }
0x2f: {  	lr =	sadd.s32 s0, s3;
	s0 =	sld [smem:$0x3FAC]  }
0x30: {  	s3 =	sld [smem:$0x3FAF]  }
0x31: {  	[smem:$0x3FB8] =	sst s10  }
0x32: {  	s10 =	sld [smem:$0x3FB6];
	_ =	sdelay $0x3  }
0x33: {  	p0 =	seq.s32 s10, $0x1;
	s10 =	sld [smem:$0x3FB8];
	_ =	sdelay $0x3  }
0x34: {  	[smem:$0x3FB8] =	sst s10  }
0x35: {  	s10 =	sld [smem:$0x3FB7];
	_ =	sdelay $0x3  }
0x36: {  	p1 =	seq.s32 s10, $0x1;
	s10 =	sld [smem:$0x3FB8];
	_ =	sdelay $0x3  }
0x37: {  	[smem:$0x3FB8] =	sst s10  }
0x38: {  	s10 =	sld [smem:$0x3FB9]  }
0x39: {  	_ = 	snop;
	(pc) =	sbr.ind lr, $3  }
0x3a: {  	_ = 	snop  }
0x3b: {  	_ = 	snop  }
0x3c: {  	p2 =	seq.s32 s10, $0x1;
	s10 =	sld [smem:$0x3FB8]  }
0x3d: {  	_ =	shalt  }
0x3e: {  	_ =	shalt  }
0x3f: {  	_ =	shalt  }
0x40: {  	_ =	shalt  }
0x41: {  	_ =	shalt  }
0x42: {  	_ =	shalt  }
0x43: {  	_ =	shalt  }
0x44: {  	_ =	shalt  }
0x45: {  	_ =	shalt  }
0x46: {  	_ =	shalt  }
0x47: {  	_ =	shalt  }
0x48: {  	_ =	shalt  }
0x49: {  	_ =	shalt  }
0x4a: {  	_ =	shalt  }
0x4b: {  	_ =	shalt  }
0x4c: {  	_ =	shalt  }
0x4d: {  	_ =	shalt  }
0x4e: {  	_ =	shalt  }
0x4f: {  	_ =	shalt  }
0x50: {  	_ =	shalt  }
0x51: {  	_ =	shalt  }
0x52: {  	_ =	shalt  }
0x53: {  	_ =	shalt  }
0x54: {  	_ =	shalt  }
0x55: {  	_ =	shalt  }
0x56: {  	_ =	shalt  }
0x57: {  	_ =	shalt  }
0x58: {  	_ =	shalt  }
0x59: {  	_ =	shalt  }
0x5a: {  	_ =	shalt  }
0x5b: {  	_ =	shalt  }
0x5c: {  	_ =	shalt  }
0x5d: {  	_ =	shalt  }
0x5e: {  	_ =	shalt  }
0x5f: {  	_ =	shalt  }
0x60: {  	_ =	shalt  }
0x61: {  	_ =	shalt  }
0x62: {  	_ =	shalt  }
0x63: {  	_ =	shalt  }
0x64: {  	_ =	shalt  }
0x65: {  	_ =	shalt  }
0x66: {  	_ =	shalt  }
0x67: {  	_ =	shalt  }
0x68: {  	_ =	shalt  }
0x69: {  	_ =	shalt  }
0x6a: {  	_ =	shalt  }
0x6b: {  	_ =	shalt  }
0x6c: {  	_ =	shalt  }
0x6d: {  	_ =	shalt  }
0x6e: {  	_ =	shalt  }
0x6f: {  	_ =	shalt  }
0x70: {  	_ =	shalt  }
0x71: {  	_ =	shalt  }
0x72: {  	_ =	shalt  }
0x73: {  	_ =	shalt  }
0x74: {  	_ =	shalt  }
0x75: {  	_ =	shalt  }
0x76: {  	_ =	shalt  }
0x77: {  	_ =	shalt  }
0x78: {  	_ =	shalt  }
0x79: {  	_ =	shalt  }
0x7a: {  	_ =	shalt  }
0x7b: {  	_ =	shalt  }
0x7c: {  	_ =	shalt  }
0x7d: {  	_ =	shalt  }
0x7e: {  	_ =	shalt  }
0x7f: {  	_ =	shalt  }
0x80: {  	_ =	shalt  }
0x81: {  	_ =	shalt  }
0x82: {  	_ =	shalt  }
0x83: {  	_ =	shalt  }
0x84: {  	_ =	shalt  }
0x85: {  	_ =	shalt  }
0x86: {  	_ =	shalt  }
0x87: {  	_ =	shalt  }
.Lfunc_end0:
.L_simem_size_0:
called_computation.2_lowered:
.L_overlay_start_0:
0x88: {  	s2 =	sld [smem:$0x3FD9]  }
0x89: {  	s3 =	sld [smem:$0x3FFE];
	_ =	sdelay $0x1  }
0x8a: {  	s1 =	srdreg.scid  }
0x8b: {  	s0 =	sand.u32 $0x1, s1  }
0x8c: {  	s17 =	sshll.u32 s0, $0xA;
	s2 =	sadd.s32 s3, s2  }
0x8d: {  	s2 =	sadd.s32 s2, s17  }
0x8e: {  	[smem:$0x3FC4] =	sst s2  }
0x8f: {  	_ = 	snop  }
0x90: {  	s2 =	sld [smem:$0x3FD0];
	(tm) =	ssettm $0x1  }
0x91: {  	s18 =	sld [smem:$0x3FFB];
	_ =	sdelay $0x3  }
0x92: {  	_ =	strace s18  }
0x93: {  	s3 =	sld [smem:$0x3FFC];
	_ =	sdelay $0x3  }
0x94: {  	_ =	strace s3  }
0x95: {  	s3 =	sld [smem:$0x3FFD];
	_ =	sdelay $0x3  }
0x96: {  	_ =	strace s3  }
0x97: {  	_ =	strace $0x8FFFFFFF  }
0x98: {  	s19 =	sld [smem:$0x3FDB];
	_ =	sdelay $0x1  }
0x99: {  	s4 =	simm.s32 $_scs_section_size  }
0x9a: {  	s5 =	simm.s32 $_size__tile_overlayer_lowered;
	s6 =	simm.s32 $_tile_overlayer_lowered  }
0x9b: {  	s22 =	simm.s32 $0x1BFF;
	s21 =	sshll.u32 s6, $0x1;
	s3 =	sadd.s32 s4, s19  }
0x9c: {  	s7 =	simm.s32 $0x0;
	s20 =	sshll.u32 s5, $0x1;
	s5 =	sadd.s32 s21, s3  }
0x9d: {  	[timem:s7], [sflag:s22] =	dma.local [hbm:s5], s20  }
0x9e: {  	_ =	swait.ge [sflag:s22], s20  }
0x9f: {  	s4 =	ssub.s32 $0x0, s20;
	[sflag:s22] =	ssyncset.done $0x0  }
0xa0: {  	[sflag:s22] =	ssyncadd.s32 s4;
	_ =	sdelay $0x1  }
0xa1: {  	s23 =	simm.s32 $0x1B8B  }
0xa2: {  	_ =	swait.ge [sflag:s23], $0x1  }
0xa3: {  	[sflag:s23] =	ssyncset.done $0x0  }
0xa4: {  	s25 =	simm.s32 $0x1B8E;
	s24 =	sld [smem:$0x3FFE];
	[sflag:s23] =	ssyncadd.s32 $0xFFFFFFFF  }
0xa5: {  	s26 =	simm.s32 $execute0_lowered;
	[smem:$0x3FD2] =	sst s25  }
0xa6: {  	s5 =	sshll.u32 s26, $0x1;
	_ =	strace $0x8000004C;
	[dreg:$0x1] =	wrdreg $0xFFFFFFFF  }
0xa7: {  	s28 =	simm.s32 $_size_execute0_lowered;
	s3 =	sadd.s32 s3, s5;
	[dreg:$0x0] =	wrdreg $0x0  }
0xa8: {  	s5 =	sshll.u32 s28, $0x1;
	[dreg:$0x2] =	wrdreg s3  }
0xa9: {  	[dreg:$0x3] =	wrdreg s5  }
0xaa: {  	[dreg:$0x4] =	wrdreg $0xC0  }
0xab: {  	_ =	task [dreg:s7], $0x5FFFF  }
0xac: {  	[dreg:$0x1] =	wrdreg $0xFFFFFFFF  }
0xad: {  	[dreg:$0x0] =	wrdreg $0x60  }
0xae: {  	[dreg:$0x2] =	wrdreg s24  }
0xaf: {  	[dreg:$0x3] =	wrdreg s2  }
0xb0: {  	[dreg:$0x4] =	wrdreg $0x9  }
0xb1: {  	_ =	task.clear_ibuf [dreg:s7], $0x5FFFF;
	_ =	strace $0x9000004C  }
0xb2: {  	s29 =	simm.s32 $0x9;
	_ =	strace $0x8000004E  }
0xb3: {  	_ =	swait.ge [sflag:s29], $0x1  }
0xb4: {  	[sflag:s29] =	ssyncadd.s32 $0xFFFFFFFF  }
0xb5: {  	_ =	strace $0x9000004E  }
0xb6: {  	_ =	sfence  }
0xb7: {  	s30 =	sld [smem:$0x0];
	_ =	sdelay $0x2  }
0xb8: {  	s31 =	sshll.u32 s1, $0xD;
	s1 =	sshrl.u32 s1, $0x2  }
0xb9: {  	s3 =	sand.u32 $0x4000, s31;
	s1 =	sadd.s32 s1, s30  }
0xba: {  	s0 =	sor.u32 s3, s0;
	s1 =	sshll.u32 s1, $0x11  }
0xbb: {  	s0 =	sor.u32 s1, s0  }
0xbc: {  	s0 =	sadd.s32 $0x8F2B, s0  }
0xbd: {  	[sflag:s0] =	ssyncadd.remote.s32 $0x1  }
0xbe: {  	_ =	sfence.sel $0xFFFF  }
0xbf: {  	[dreg:$0x0] =	wrdreg $0xFFFFFFFF;
	(pc) =	sbr.abs _section_cstart, $3  }
0xc0: {  	[dreg:$0x1] =	wrdreg $0xFFFFFFFF  }
0xc1: {  	_ =	task.clear_ibuf [dreg:s7], $0x2FFFF;
	_ =	strace $0x9FFFFFFF  }
0xc2: {  	(tm) =	ssettm $0x7FFFFFFF  }
0xc3: {  	_ =	shalt  }
tec
execute0_lowered:
.L_overlay_start_1:
0x0: {  	(tag) =	ssettag $0x1  }
0x1: {  	s0 =	rddreg [dreg:$0x0]  }
0x2: {  	s5 =	rddreg [dreg:$0x1];
	s3 =	srdreg.scid  }
0x3: {  	s2 =	simm.s32 $0x0;
	s1 =	stileid.u32;
	s26 =	simm.s32 $0x880  }
0x4: {  	s10 =	simm.s32 $0x1880;
	s11 =	simm.s32 $0x2080;
	s12 =	simm.s32 $0x2880  }
0x5: {  	s13 =	simm.s32 $0x3080;
	s14 =	simm.s32 $0x3880;
	s15 =	simm.s32 $0x4080  }
0x6: {  	s16 =	simm.s32 $0x4880;
	s17 =	simm.s32 $0x5080;
	s18 =	simm.s32 $0x5880  }
0x7: {  	s19 =	simm.s32 $0x6080;
	s20 =	simm.s32 $0x6880;
	s21 =	simm.s32 $0x7080  }
0x8: {  	s22 =	simm.s32 $0x7880;
	s28 =	simm.s32 $0xA080;
	s29 =	simm.s32 $0xA880  }
0x9: {  	s30 =	simm.s32 $0xB080;
	s31 =	simm.s32 $0xB880;
	s3 =	sand.u32 $0x1, s3  }
0xa: {  	[smem:$0x7FF] =	sst s2;
	s4 =	sshll.u32 s1, $0x4;
	s6 =	sshll.u32 s3, $0x3  }
0xb: {  	_ =	strace $0x8000004D;
	s23 =	ssub.s32 $0x2, s3;
	s3 =	sadd.s32 $0x800, s0  }
0xc: {  	[dreg:$0x5] =	wrdreg s26;
	s26 =	simm.s32 $0x9880;
	s4 =	sor.u32 s6, s4  }
0xd: {  	s8 =	sshrl.u32 s23, $0x1;
	s7 =	sadd.s32 s4, s0;
	s9 =	smul.u32 $0x300, s4  }
0xe: {  	s6 =	ssub.s32 s23, s8;
	s4 =	sadd.s32 $0x900, s0;
	s8 =	simm.s32 $0x80  }
0xf: {  	s23 =	simm.s32 $0x8080;
	s24 =	sadd.s32 $0x5A800, s7;
	s6 =	smax.u32 s6, $0x1  }
0x10: {  	v2 =	vlaneseq.u32;
	s7 =	simm.s32 $0x2;
	[dreg:$0x3] =	wrdreg s24;
	s25 =	sadd.s32 s5, s9  }
0x11: {  	vm0 =	vmmov $0xffff;
	v1 =	vshrl.u32 v2, $0x3;
	s5 =	sadd.s32 $0xA00, s0;
	s9 =	simm.s32 $0x1080;
	s24 =	simm.s32 $0x8880  }
0x12: {  	v0 =	vand.u32 $0x7, v2;
	v2 =	vor.u32 $0x8, v2;
	v1 =	vmul.u32 $0x8, v1;
	s0 =	simm.s32 $0x1;
	[dreg:$0x4] =	wrdreg s25;
	s25 =	simm.s32 $0x9080  }
.LBB2_1:
0x13: {  	s1 =	rddreg [dreg:$0x3]  }
0x14: {  	[tilespmem:s2], [sflag:$0x2] =	stream.linear.gather [hbm4b:s1+s2], $0x40, $0x38;
	[tilespmem:$0xC080] =	vst v63  }
0x15: {  	_ =	swait.ge [sflag:s7], $0x40  }
0x16: {  	[sflag:s7] =	ssyncset.done $0x0  }
0x17: {  	[sflag:s7] =	ssyncadd.s32 $0xFFFFFFC0  }
0x18: {  	v3 =	vld [tilespmem:$0x0];
	_ =	sdelay $0x4  }
0x19: {  	v4 =	vshrl.u32 v3, $0x3  }
0x1a: {  	v4 =	vmul.u32 $0x30, v4  }
0x1b: {  	v3 =	vand.u32 $0x7, v3  }
0x1c: {  	v3 =	vor.u32 v3, v4  }
0x1d: {  	v4 =	vperm.xlane v3, v0;
	_ =	sdelay $0x1  }
0x1e: {  	v4 =	vadd.s32 v1, v4;
	_ =	sdelay $0x3  }
0x1f: {  	v3 =	vperm.xlane v3, v2  }
0x20: {  	[tilespmem:s8], [sflag:$0x1] =	stream.indirect_vreg.gather [hbm4b:s3+s2], $0x80, v4, vm0, $0xb8;
	[tilespmem:$0xC080] =	vst v63  }
0x21: {  	s1 =	rddreg [dreg:$0x5];
	v3 =	vadd.s32 v1, v3  }
0x22: {  	[tilespmem:s1], [sflag:$0x1] =	stream.indirect_vreg.gather [hbm4b:s4+s2], $0x80, v4, vm0, $0xb8;
	[tilespmem:$0xC080] =	vst v63  }
0x23: {  	_ = 	snop  }
0x24: {  	[tilespmem:s9], [sflag:$0x1] =	stream.indirect_vreg.gather [hbm4b:s5+s2], $0x80, v4, vm0, $0xb8;
	[tilespmem:$0xC080] =	vst v63  }
0x25: {  	_ = 	snop  }
0x26: {  	[tilespmem:s10], [sflag:$0x1] =	stream.indirect_vreg.gather [hbm4b:s3+s2], $0x80, v3, vm0, $0xb8;
	[tilespmem:$0xC080] =	vst v63  }
0x27: {  	_ = 	snop  }
0x28: {  	[tilespmem:s11], [sflag:$0x1] =	stream.indirect_vreg.gather [hbm4b:s4+s2], $0x80, v3, vm0, $0xb8;
	[tilespmem:$0xC080] =	vst v63  }
0x29: {  	_ = 	snop  }
0x2a: {  	[tilespmem:s12], [sflag:$0x1] =	stream.indirect_vreg.gather [hbm4b:s5+s2], $0x80, v3, vm0, $0xb8;
	[tilespmem:$0xC080] =	vst v63  }
0x2b: {  	v3 =	vld [tilespmem:$0x10];
	_ =	sdelay $0x4  }
0x2c: {  	v61 =	vshrl.u32 v3, $0x3  }
0x2d: {  	v4 =	vmul.u32 $0x30, v61  }
0x2e: {  	v3 =	vand.u32 $0x7, v3  }
0x2f: {  	v3 =	vor.u32 v3, v4  }
0x30: {  	v4 =	vperm.xlane v3, v0;
	_ =	sdelay $0x1  }
0x31: {  	v4 =	vadd.s32 v1, v4;
	_ =	sdelay $0x3  }
0x32: {  	v3 =	vperm.xlane v3, v2  }
0x33: {  	[tilespmem:s13], [sflag:$0x1] =	stream.indirect_vreg.gather [hbm4b:s3+s2], $0x80, v4, vm0, $0xb8;
	[tilespmem:$0xC080] =	vst v63  }
0x34: {  	v3 =	vadd.s32 v1, v3  }
0x35: {  	[tilespmem:s14], [sflag:$0x1] =	stream.indirect_vreg.gather [hbm4b:s4+s2], $0x80, v4, vm0, $0xb8;
	[tilespmem:$0xC080] =	vst v63  }
0x36: {  	_ = 	snop  }
0x37: {  	[tilespmem:s15], [sflag:$0x1] =	stream.indirect_vreg.gather [hbm4b:s5+s2], $0x80, v4, vm0, $0xb8;
	[tilespmem:$0xC080] =	vst v63  }
0x38: {  	_ = 	snop  }
0x39: {  	[tilespmem:s16], [sflag:$0x1] =	stream.indirect_vreg.gather [hbm4b:s3+s2], $0x80, v3, vm0, $0xb8;
	[tilespmem:$0xC080] =	vst v63  }
0x3a: {  	_ = 	snop  }
0x3b: {  	[tilespmem:s17], [sflag:$0x1] =	stream.indirect_vreg.gather [hbm4b:s4+s2], $0x80, v3, vm0, $0xb8;
	[tilespmem:$0xC080] =	vst v63  }
0x3c: {  	_ = 	snop  }
0x3d: {  	[tilespmem:s18], [sflag:$0x1] =	stream.indirect_vreg.gather [hbm4b:s5+s2], $0x80, v3, vm0, $0xb8;
	[tilespmem:$0xC080] =	vst v63  }
0x3e: {  	v3 =	vld [tilespmem:$0x20];
	_ =	sdelay $0x4  }
0x3f: {  	v62 =	vshrl.u32 v3, $0x3  }
0x40: {  	v4 =	vmul.u32 $0x30, v62  }
0x41: {  	v3 =	vand.u32 $0x7, v3  }
0x42: {  	v3 =	vor.u32 v3, v4  }
0x43: {  	v4 =	vperm.xlane v3, v0;
	_ =	sdelay $0x1  }
0x44: {  	v4 =	vadd.s32 v1, v4;
	_ =	sdelay $0x3  }
0x45: {  	v3 =	vperm.xlane v3, v2  }
0x46: {  	[tilespmem:s19], [sflag:$0x1] =	stream.indirect_vreg.gather [hbm4b:s3+s2], $0x80, v4, vm0, $0xb8;
	[tilespmem:$0xC080] =	vst v63  }
0x47: {  	v3 =	vadd.s32 v1, v3  }
0x48: {  	[tilespmem:s20], [sflag:$0x1] =	stream.indirect_vreg.gather [hbm4b:s4+s2], $0x80, v4, vm0, $0xb8;
	[tilespmem:$0xC080] =	vst v63  }
0x49: {  	_ = 	snop  }
0x4a: {  	[tilespmem:s21], [sflag:$0x1] =	stream.indirect_vreg.gather [hbm4b:s5+s2], $0x80, v4, vm0, $0xb8;
	[tilespmem:$0xC080] =	vst v63  }
0x4b: {  	_ = 	snop  }
0x4c: {  	[tilespmem:s22], [sflag:$0x1] =	stream.indirect_vreg.gather [hbm4b:s3+s2], $0x80, v3, vm0, $0xb8;
	[tilespmem:$0xC080] =	vst v63  }
0x4d: {  	_ = 	snop  }
0x4e: {  	[tilespmem:s23], [sflag:$0x1] =	stream.indirect_vreg.gather [hbm4b:s4+s2], $0x80, v3, vm0, $0xb8;
	[tilespmem:$0xC080] =	vst v63  }
0x4f: {  	_ = 	snop  }
0x50: {  	[tilespmem:s24], [sflag:$0x1] =	stream.indirect_vreg.gather [hbm4b:s5+s2], $0x80, v3, vm0, $0xb8;
	[tilespmem:$0xC080] =	vst v63  }
0x51: {  	v3 =	vld [tilespmem:$0x30];
	_ =	sdelay $0x4  }
0x52: {  	v63 =	vshrl.u32 v3, $0x3  }
0x53: {  	v4 =	vmul.u32 $0x30, v63  }
0x54: {  	v3 =	vand.u32 $0x7, v3  }
0x55: {  	v3 =	vor.u32 v3, v4  }
0x56: {  	v4 =	vperm.xlane v3, v0;
	_ =	sdelay $0x1  }
0x57: {  	v4 =	vadd.s32 v1, v4;
	_ =	sdelay $0x3  }
0x58: {  	v3 =	vperm.xlane v3, v2  }
0x59: {  	[tilespmem:s25], [sflag:$0x1] =	stream.indirect_vreg.gather [hbm4b:s3+s2], $0x80, v4, vm0, $0xb8;
	[tilespmem:$0xC080] =	vst v63  }
0x5a: {  	v3 =	vadd.s32 v1, v3  }
0x5b: {  	[tilespmem:s26], [sflag:$0x1] =	stream.indirect_vreg.gather [hbm4b:s4+s2], $0x80, v4, vm0, $0xb8;
	[tilespmem:$0xC080] =	vst v63  }
0x5c: {  	_ = 	snop  }
0x5d: {  	[tilespmem:s28], [sflag:$0x1] =	stream.indirect_vreg.gather [hbm4b:s5+s2], $0x80, v4, vm0, $0xb8;
	[tilespmem:$0xC080] =	vst v63  }
0x5e: {  	_ = 	snop  }
0x5f: {  	[tilespmem:s29], [sflag:$0x1] =	stream.indirect_vreg.gather [hbm4b:s3+s2], $0x80, v3, vm0, $0xb8;
	[tilespmem:$0xC080] =	vst v63  }
0x60: {  	_ = 	snop  }
0x61: {  	[tilespmem:s30], [sflag:$0x1] =	stream.indirect_vreg.gather [hbm4b:s4+s2], $0x80, v3, vm0, $0xb8;
	[tilespmem:$0xC080] =	vst v63  }
0x62: {  	_ = 	snop  }
0x63: {  	[tilespmem:s31], [sflag:$0x1] =	stream.indirect_vreg.gather [hbm4b:s5+s2], $0x80, v3, vm0, $0xb8;
	[tilespmem:$0xC080] =	vst v63  }
0x64: {  	_ =	swait.ge [sflag:s0], $0xC000  }
0x65: {  	p0 =	sne.s32 s6, $0x1;
	[sflag:s0] =	ssyncset.done $0x0  }
.Ltmp0:
0x66: {  	s1 =	rddreg [dreg:$0x4];
	[sflag:s0] =	ssyncadd.s32 $0xFFFF4000;
	(pc) =	sbr.rel @p0 .LBB2_1-.Ltmp0, $4  }
0x67: {  	[hbm4b:s1+s2] =	stream.linear.scatter [tilespmem:s8], [sflag:$0x2], $0xC000, $0x38;
	[tilespmem:$0xC080] =	vst v63  }
0x68: {  	_ =	swait.ge [sflag:s7], $0xC000  }
0x69: {  	[sflag:s7] =	ssyncset.done $0x0  }
0x6a: {  	s6 =	sadd.s32 $0xFFFFFFFF, s6;
	[sflag:s7] =	ssyncadd.s32 $0xFFFF4000  }
0x6b: {  	_ =	sfence.sel $0x180000  }
0x6c: {  	[bflag:$0x0] =	sbarrier.arrive $0xFFFF  }
0x6d: {  	_ =	strace $0x9000004D  }
0x6e: {  	s0 =	stileid.u32;
	[bflag:$0x2] =	sbarrier.arrive $0xFFFF  }
0x6f: {  	p0 =	sne.s32 s0, $0x0;
	s0 =	rddreg [dreg:$0x2]  }
0x70: {  	s0 =	sadd.s32 @!p0 $0x100000, s0  }
0x71: {  	[sflag:s0] =	ssyncadd.tile.s32 @!p0 $0x1;
	_ =	shalt  }
.Lfunc_end2:
_tile_overlayer_lowered:
.L_overlay_start_2:
0x72: {  	(tag) =	ssettag $0x2  }
0x73: {  	s0 =	rddreg [dreg:$0x0];
	s2 =	stileid.u32  }
0x74: {  	s1 =	rddreg [dreg:$0x1];
	p0 =	sne.s32 s2, $0x0  }
0x75: {  	s3 =	rddreg [dreg:$0x2];
	[bflag:$0x3] =	sbarrier.arrive $0xFFFF;
	s2 =	simm.s32 @!p0 $0x1C02  }
0x76: {  	[timem:s3], [sflag:s2] =	dma.local @!p0 [hbm:s0], s1  }
0x77: {  	s0 =	simm.s32 @!p0 $0x2  }
0x78: {  	_ =	swait.ge @!p0 [sflag:s0], s1  }
0x79: {  	s1 =	ssub.s32 @!p0 $0x0, s1;
	[sflag:s0] =	ssyncset.done @!p0 $0x0  }
0x7a: {  	[sflag:s0] =	ssyncadd.s32 @!p0 s1  }
0x7b: {  	[bflag:$0x3] =	sbarrier.arrive $0xFFFF  }
0x7c: {  	_ =	shalt  }

// kernel: kernel.6.cloned.1.call-start
scs
__scs_entry_jumppad:
0x0: {  	(pc) =	sbr.rel $0x88, $3  }
0x1: {  	(tag) =	ssettag $0x0;
	lr =	simm.s32 $0x1  }
0x2: {  	[smem:$0x3F9D] =	sst lr;
	_ =	strace $0xD0000000  }
0x3: {  	_ = 	snop  }
0x4: {  	_ = 	snop  }
0x5: {  	_ = 	snop  }
0x6: {  	_ = 	snop  }
0x7: {  	_ = 	snop  }
__scs_overlays_trampoline_lowered:
0x8: {  	[smem:$0x3FAC] =	sst s0  }
0x9: {  	[smem:$0x3FAD] =	sst s1  }
0xa: {  	[smem:$0x3FAE] =	sst s2  }
0xb: {  	[smem:$0x3FAF] =	sst s3  }
0xc: {  	[smem:$0x3FB0] =	sst s4  }
0xd: {  	[smem:$0x3FB1] =	sst s5  }
0xe: {  	[smem:$0x3FB2] =	sst s6  }
0xf: {  	[smem:$0x3FB3] =	sst s7  }
0x10: {  	[smem:$0x3FB4] =	sst s8  }
0x11: {  	[smem:$0x3FB5] =	sst s9;
	s0 =	simm.s32 @!p0 $0x0  }
0x12: {  	s1 =	sld [smem:$0x3F9B];
	s0 =	simm.s32 @p0 $0x1  }
0x13: {  	[smem:$0x3FB6] =	sst s0;
	s0 =	simm.s32 @!p1 $0x0  }
0x14: {  	s2 =	sld [smem:$0x3F9A];
	s0 =	simm.s32 @p1 $0x1  }
0x15: {  	[smem:$0x3FB7] =	sst s0;
	s0 =	simm.s32 @!p2 $0x0  }
0x16: {  	s3 =	sld [smem:$0x3FDB];
	s0 =	simm.s32 @p2 $0x1  }
0x17: {  	s4 =	simm.s32 $0x1BF5;
	[smem:$0x3FB9] =	sst s0  }
0x18: {  	s0 =	sld [smem:$0x3F9C];
	_ =	swait.ge [sflag:s4], $0x0  }
0x19: {  	s7 =	sld [smem:$0x3F9D]  }
0x1a: {  	s8 =	sadd.s32 $0xFFFFE003, lr  }
0x1b: {  	s9 =	sadd.s32 $0xFFFFFEF7, lr;
	s5 =	simm.s32 $0xFFFFFFFF;
	p2 =	slt.u32 s8, $0xFFFFF086  }
0x1c: {  	p1 =	slt.u32 s9, $0xF7A;
	s5 =	simm.s32 @!p2 $0x0  }
0x1d: {  	s5 =	simm.s32 @p1 $0x1;
	p0 =	seq.s32 s7, s2  }
0x1e: {  	s7 =	smul.u32 @!p0 $0xF7A, s2;
	p2 =	seq.s32 @!p0 s5, $0x0  }
0x1f: {  	s9 =	smul.u32 $0xF7A, s1;
	s8 =	simm.s32 @!p0 $0x1BF5;
	p2 =	por !p2, p0  }
0x20: {  	[sflag:s8] =	ssyncset.s32 @!p0 $0xFFFFF086;
	s6 =	sadd.s32 @!p0 s3, s7;
	s7 =	simm.s32 @!p0 $0x108  }
0x21: {  	s3 =	sadd.s32 s3, s9;
	s6 =	sadd.s32 @!p0 $0x88, s6;
	s7 =	simm.s32 @p2 $0x1082  }
0x22: {  	[simem:s7], [sflag:s8] =	dma.local @!p0 [hbm:s6], $0xF7A  }
0x23: {  	s9 =	sor.u32 $0xD0000000, s2;
	s6 =	simm.s32 $0x108;
	_ =	swait.ge @!p0 [sflag:s8], $0x0  }
0x24: {  	s3 =	sadd.s32 $0x88, s3;
	s6 =	simm.s32 @!p1 $0x1082;
	[sflag:s4] =	ssyncset.s32 $0xFFFFF086  }
0x25: {  	[simem:s6], [sflag:s4] =	dma.local [hbm:s3], $0xF7A  }
0x26: {  	[smem:$0x3F9D] =	sst s1;
	(tag) =	ssettag s2;
	_ =	strace s9  }
0x27: {  	s1 =	sld [smem:$0x3FAD]  }
0x28: {  	s2 =	sld [smem:$0x3FAE]  }
0x29: {  	s4 =	sld [smem:$0x3FB0]  }
0x2a: {  	p0 =	seq.s32 s5, $0x0;
	s5 =	sld [smem:$0x3FB1]  }
0x2b: {  	s6 =	sld [smem:$0x3FB2]  }
0x2c: {  	s7 =	sld [smem:$0x3FB3]  }
0x2d: {  	s3 =	simm.s32 $0x108;
	s8 =	sld [smem:$0x3FB4]  }
0x2e: {  	s3 =	simm.s32 @!p0 $0x1082;
	s9 =	sld [smem:$0x3FB5]  }
0x2f: {  	lr =	sadd.s32 s0, s3;
	s0 =	sld [smem:$0x3FAC]  }
0x30: {  	s3 =	sld [smem:$0x3FAF]  }
0x31: {  	[smem:$0x3FB8] =	sst s10  }
0x32: {  	s10 =	sld [smem:$0x3FB6];
	_ =	sdelay $0x3  }
0x33: {  	p0 =	seq.s32 s10, $0x1;
	s10 =	sld [smem:$0x3FB8];
	_ =	sdelay $0x3  }
0x34: {  	[smem:$0x3FB8] =	sst s10  }
0x35: {  	s10 =	sld [smem:$0x3FB7];
	_ =	sdelay $0x3  }
0x36: {  	p1 =	seq.s32 s10, $0x1;
	s10 =	sld [smem:$0x3FB8];
	_ =	sdelay $0x3  }
0x37: {  	[smem:$0x3FB8] =	sst s10  }
0x38: {  	s10 =	sld [smem:$0x3FB9]  }
0x39: {  	_ = 	snop;
	(pc) =	sbr.ind lr, $3  }
0x3a: {  	_ = 	snop  }
0x3b: {  	_ = 	snop  }
0x3c: {  	p2 =	seq.s32 s10, $0x1;
	s10 =	sld [smem:$0x3FB8]  }
0x3d: {  	_ =	shalt  }
0x3e: {  	_ =	shalt  }
0x3f: {  	_ =	shalt  }
0x40: {  	_ =	shalt  }
0x41: {  	_ =	shalt  }
0x42: {  	_ =	shalt  }
0x43: {  	_ =	shalt  }
0x44: {  	_ =	shalt  }
0x45: {  	_ =	shalt  }
0x46: {  	_ =	shalt  }
0x47: {  	_ =	shalt  }
0x48: {  	_ =	shalt  }
0x49: {  	_ =	shalt  }
0x4a: {  	_ =	shalt  }
0x4b: {  	_ =	shalt  }
0x4c: {  	_ =	shalt  }
0x4d: {  	_ =	shalt  }
0x4e: {  	_ =	shalt  }
0x4f: {  	_ =	shalt  }
0x50: {  	_ =	shalt  }
0x51: {  	_ =	shalt  }
0x52: {  	_ =	shalt  }
0x53: {  	_ =	shalt  }
0x54: {  	_ =	shalt  }
0x55: {  	_ =	shalt  }
0x56: {  	_ =	shalt  }
0x57: {  	_ =	shalt  }
0x58: {  	_ =	shalt  }
0x59: {  	_ =	shalt  }
0x5a: {  	_ =	shalt  }
0x5b: {  	_ =	shalt  }
0x5c: {  	_ =	shalt  }
0x5d: {  	_ =	shalt  }
0x5e: {  	_ =	shalt  }
0x5f: {  	_ =	shalt  }
0x60: {  	_ =	shalt  }
0x61: {  	_ =	shalt  }
0x62: {  	_ =	shalt  }
0x63: {  	_ =	shalt  }
0x64: {  	_ =	shalt  }
0x65: {  	_ =	shalt  }
0x66: {  	_ =	shalt  }
0x67: {  	_ =	shalt  }
0x68: {  	_ =	shalt  }
0x69: {  	_ =	shalt  }
0x6a: {  	_ =	shalt  }
0x6b: {  	_ =	shalt  }
0x6c: {  	_ =	shalt  }
0x6d: {  	_ =	shalt  }
0x6e: {  	_ =	shalt  }
0x6f: {  	_ =	shalt  }
0x70: {  	_ =	shalt  }
0x71: {  	_ =	shalt  }
0x72: {  	_ =	shalt  }
0x73: {  	_ =	shalt  }
0x74: {  	_ =	shalt  }
0x75: {  	_ =	shalt  }
0x76: {  	_ =	shalt  }
0x77: {  	_ =	shalt  }
0x78: {  	_ =	shalt  }
0x79: {  	_ =	shalt  }
0x7a: {  	_ =	shalt  }
0x7b: {  	_ =	shalt  }
0x7c: {  	_ =	shalt  }
0x7d: {  	_ =	shalt  }
0x7e: {  	_ =	shalt  }
0x7f: {  	_ =	shalt  }
0x80: {  	_ =	shalt  }
0x81: {  	_ =	shalt  }
0x82: {  	_ =	shalt  }
0x83: {  	_ =	shalt  }
0x84: {  	_ =	shalt  }
0x85: {  	_ =	shalt  }
0x86: {  	_ =	shalt  }
0x87: {  	_ =	shalt  }
.Lfunc_end0:
.L_simem_size_0:
called_computation_lowered:
.L_overlay_start_0:
0x88: {  	s2 =	sld [smem:$0x3FD9]  }
0x89: {  	s3 =	sld [smem:$0x3FFE];
	_ =	sdelay $0x1  }
0x8a: {  	s1 =	srdreg.scid  }
0x8b: {  	s0 =	sand.u32 $0x1, s1  }
0x8c: {  	s18 =	sshll.u32 s0, $0xA;
	s2 =	sadd.s32 s3, s2  }
0x8d: {  	s2 =	sadd.s32 s2, s18  }
0x8e: {  	[smem:$0x3FC4] =	sst s2  }
0x8f: {  	_ = 	snop  }
0x90: {  	s2 =	sld [smem:$0x3FC8]  }
0x91: {  	s19 =	sld [smem:$0x3FD0];
	(tm) =	ssettm $0x1  }
0x92: {  	s4 =	sld [smem:$0x3FFB];
	_ =	sdelay $0x3  }
0x93: {  	_ =	strace s4  }
0x94: {  	s4 =	sld [smem:$0x3FFC];
	_ =	sdelay $0x3  }
0x95: {  	_ =	strace s4  }
0x96: {  	s4 =	sld [smem:$0x3FFD];
	_ =	sdelay $0x3  }
0x97: {  	_ =	strace s4  }
0x98: {  	_ =	strace $0x8FFFFFFF  }
0x99: {  	s20 =	sld [smem:$0x3FDB];
	_ =	sdelay $0x1  }
0x9a: {  	s5 =	simm.s32 $_scs_section_size  }
0x9b: {  	s6 =	simm.s32 $_size__tile_overlayer_lowered;
	s7 =	simm.s32 $_tile_overlayer_lowered  }
0x9c: {  	s23 =	simm.s32 $0x1BFF;
	s22 =	sshll.u32 s7, $0x1;
	s4 =	sadd.s32 s5, s20  }
0x9d: {  	s8 =	simm.s32 $0x0;
	s21 =	sshll.u32 s6, $0x1;
	s6 =	sadd.s32 s22, s4  }
0x9e: {  	[timem:s8], [sflag:s23] =	dma.local [hbm:s6], s21  }
0x9f: {  	_ =	swait.ge [sflag:s23], s21  }
0xa0: {  	s5 =	ssub.s32 $0x0, s21;
	[sflag:s23] =	ssyncset.done $0x0  }
0xa1: {  	[sflag:s23] =	ssyncadd.s32 s5;
	_ =	sdelay $0x1  }
0xa2: {  	s24 =	simm.s32 $0x1B8B  }
0xa3: {  	_ =	swait.ge [sflag:s24], $0x1  }
0xa4: {  	[sflag:s24] =	ssyncset.done $0x0  }
0xa5: {  	s25 =	simm.s32 $0x1B8E;
	[sflag:s24] =	ssyncadd.s32 $0xFFFFFFFF  }
0xa6: {  	s26 =	simm.s32 $execute0_lowered;
	[smem:$0x3FD2] =	sst s25  }
0xa7: {  	s5 =	sshll.u32 s26, $0x1;
	_ =	strace $0x80000046;
	[dreg:$0x1] =	wrdreg $0xFFFFFFFF  }
0xa8: {  	s28 =	simm.s32 $_size_execute0_lowered;
	s4 =	sadd.s32 s4, s5;
	[dreg:$0x0] =	wrdreg $0x0  }
0xa9: {  	s5 =	sshll.u32 s28, $0x1;
	[dreg:$0x2] =	wrdreg s4  }
0xaa: {  	[dreg:$0x3] =	wrdreg s5  }
0xab: {  	[dreg:$0x4] =	wrdreg $0xC0  }
0xac: {  	_ =	task [dreg:s8], $0x5FFFF  }
0xad: {  	[dreg:$0x1] =	wrdreg $0xFFFFFFFF  }
0xae: {  	[dreg:$0x0] =	wrdreg $0x60  }
0xaf: {  	[dreg:$0x2] =	wrdreg s2  }
0xb0: {  	[dreg:$0x3] =	wrdreg s19  }
0xb1: {  	[dreg:$0x4] =	wrdreg $0x9  }
0xb2: {  	_ =	task.clear_ibuf [dreg:s8], $0x5FFFF;
	_ =	strace $0x90000046  }
0xb3: {  	s29 =	simm.s32 $0x9;
	_ =	strace $0x80000048  }
0xb4: {  	_ =	swait.ge [sflag:s29], $0x1  }
0xb5: {  	[sflag:s29] =	ssyncadd.s32 $0xFFFFFFFF  }
0xb6: {  	_ =	strace $0x90000048  }
0xb7: {  	_ =	sfence  }
0xb8: {  	s30 =	sld [smem:$0x0];
	_ =	sdelay $0x2  }
0xb9: {  	s31 =	sshll.u32 s1, $0xD;
	s1 =	sshrl.u32 s1, $0x2  }
0xba: {  	s3 =	sand.u32 $0x4000, s31;
	s1 =	sadd.s32 s1, s30  }
0xbb: {  	s0 =	sor.u32 s3, s0;
	s1 =	sshll.u32 s1, $0x11  }
0xbc: {  	s0 =	sor.u32 s1, s0  }
0xbd: {  	s0 =	sadd.s32 $0x8F2B, s0  }
0xbe: {  	[sflag:s0] =	ssyncadd.remote.s32 $0x1  }
0xbf: {  	_ =	sfence.sel $0xFFFF  }
0xc0: {  	[dreg:$0x0] =	wrdreg $0xFFFFFFFF;
	(pc) =	sbr.abs _section_cstart, $3  }
0xc1: {  	[dreg:$0x1] =	wrdreg $0xFFFFFFFF  }
0xc2: {  	_ =	task.clear_ibuf [dreg:s8], $0x2FFFF;
	_ =	strace $0x9FFFFFFF  }
0xc3: {  	(tm) =	ssettm $0x7FFFFFFF  }
tec
execute0_lowered:
.L_overlay_start_1:
0x0: {  	(tag) =	ssettag $0x1  }
0x1: {  	s3 =	rddreg [dreg:$0x0]  }
0x2: {  	s4 =	rddreg [dreg:$0x1];
	s2 =	srdreg.scid  }
0x3: {  	s0 =	rddreg [dreg:$0x2];
	s1 =	stileid.u32;
	s5 =	sand.u32 $0x1, s2  }
0x4: {  	s2 =	simm.s32 $0x0;
	s7 =	sshll.u32 s1, $0x1;
	s6 =	ssub.s32 $0x2, s5  }
0x5: {  	[smem:$0x7FF] =	sst s2;
	s5 =	sor.u32 s5, s7;
	s7 =	simm.s32 $0x80  }
0x6: {  	s30 =	sshrl.u32 s6, $0x1;
	s31 =	sshll.u32 s5, $0x3;
	s5 =	sshll.u32 s5, $0x4  }
0x7: {  	_ =	strace $0x80000047;
	s6 =	ssub.s32 s6, s30;
	s3 =	sadd.s32 s3, s31  }
0x8: {  	v0 =	vimm.s32 $0x0;
	s4 =	sadd.s32 s4, s5;
	s5 =	smax.u32 s6, $0x1;
	s6 =	simm.s32 $0x1  }
.LBB2_1:
0x9: {  	[tilespmem:s2], [sflag:$0x1] =	stream.linear.gather [hbm4b:s3+s2], $0x40, $0x38;
	[tilespmem:$0x100] =	vst v63  }
0xa: {  	_ =	swait.ge [sflag:s6], $0x40  }
0xb: {  	[sflag:s6] =	ssyncset.done $0x0  }
0xc: {  	[sflag:s6] =	ssyncadd.s32 $0xFFFFFFC0  }
0xd: {  	v1 =	vld [tilespmem:$0x0];
	_ =	sdelay $0x4  }
0xe: {  	(xrf1) =	vunique.msk.u32 $0xffff, v1;
	_ =	sdelay $0xc  }
0xf: {  	[tilespmem:$0x80] =	vst v0  }
0x10: {  	v3 =	vld.idx.msk [tilespmem:v1+s7+$0x0], $0xffff;
	_, v2, vm0 =	vpop (xrf1);
	_ =	sdelay $0x4  }
0x11: {  	v2 =	vadd.s32 v3, v2  }
0x12: {  	[tilespmem:v1+s7+$0x0] =	vst.idx.msk vm0, v2  }
0x13: {  	v1 =	vld [tilespmem:$0x10];
	_ =	sdelay $0x4  }
0x14: {  	(xrf1) =	vunique.msk.u32 $0xffff, v1;
	_ =	sdelay $0xd  }
0x15: {  	v3 =	vld.idx.msk [tilespmem:v1+s7+$0x0], $0xffff;
	_, v2, vm0 =	vpop (xrf1);
	_ =	sdelay $0x4  }
0x16: {  	v2 =	vadd.s32 v3, v2  }
0x17: {  	[tilespmem:v1+s7+$0x0] =	vst.idx.msk vm0, v2  }
0x18: {  	v1 =	vld [tilespmem:$0x20];
	_ =	sdelay $0x4  }
0x19: {  	(xrf1) =	vunique.msk.u32 $0xffff, v1;
	_ =	sdelay $0xd  }
0x1a: {  	v3 =	vld.idx.msk [tilespmem:v1+s7+$0x0], $0xffff;
	_, v2, vm0 =	vpop (xrf1);
	_ =	sdelay $0x4  }
0x1b: {  	v2 =	vadd.s32 v3, v2  }
0x1c: {  	[tilespmem:v1+s7+$0x0] =	vst.idx.msk vm0, v2  }
0x1d: {  	v1 =	vld [tilespmem:$0x30];
	_ =	sdelay $0x4  }
0x1e: {  	(xrf1) =	vunique.msk.u32 $0xffff, v1;
	_ =	sdelay $0xd  }
0x1f: {  	v3 =	vld.idx.msk [tilespmem:v1+s7+$0x0], $0xffff;
	_, v2, vm0 =	vpop (xrf1);
	_ =	sdelay $0x4  }
0x20: {  	p0 =	sne.s32 s5, $0x1;
	v2 =	vadd.s32 v3, v2  }
.Ltmp0:
0x21: {  	[tilespmem:v1+s7+$0x0] =	vst.idx.msk vm0, v2;
	(pc) =	sbr.rel @p0 .LBB2_1-.Ltmp0, $4  }
0x22: {  	[hbm4b:s4+s2] =	stream.linear.scatter [tilespmem:s7], [sflag:$0x1], $0x80, $0x38;
	[tilespmem:$0x100] =	vst v63  }
0x23: {  	_ =	swait.ge [sflag:s6], $0x80  }
0x24: {  	[sflag:s6] =	ssyncset.done $0x0  }
0x25: {  	s5 =	sadd.s32 $0xFFFFFFFF, s5;
	[sflag:s6] =	ssyncadd.s32 $0xFFFFFF80  }
0x26: {  	_ =	sfence.sel $0x180000  }
0x27: {  	[bflag:$0x0] =	sbarrier.arrive $0xFFFF  }
0x28: {  	p0 =	sne.s32 s1, $0x0;
	_ =	strace $0x90000047  }
0x29: {  	s0 =	sadd.s32 @!p0 $0x100000, s0;
	[bflag:$0x2] =	sbarrier.arrive $0xFFFF  }
0x2a: {  	[sflag:s0] =	ssyncadd.tile.s32 @!p0 $0x1;
	_ =	shalt  }
.Lfunc_end2:
_tile_overlayer_lowered:
.L_overlay_start_2:
0x2b: {  	(tag) =	ssettag $0x2  }
0x2c: {  	s0 =	rddreg [dreg:$0x0];
	s2 =	stileid.u32  }
0x2d: {  	s1 =	rddreg [dreg:$0x1];
	p0 =	sne.s32 s2, $0x0  }
0x2e: {  	s3 =	rddreg [dreg:$0x2];
	[bflag:$0x3] =	sbarrier.arrive $0xFFFF;
	s2 =	simm.s32 @!p0 $0x1C01  }
0x2f: {  	[timem:s3], [sflag:s2] =	dma.local @!p0 [hbm:s0], s1  }
0x30: {  	s0 =	simm.s32 @!p0 $0x1  }
0x31: {  	_ =	swait.ge @!p0 [sflag:s0], s1  }
0x32: {  	s1 =	ssub.s32 @!p0 $0x0, s1;
	[sflag:s0] =	ssyncset.done @!p0 $0x0  }
0x33: {  	[sflag:s0] =	ssyncadd.s32 @!p0 s1  }
0x34: {  	[bflag:$0x3] =	sbarrier.arrive $0xFFFF  }
0x35: {  	_ =	shalt  }

// kernel: kernel.9.cloned.1.call-start
scs
__scs_entry_jumppad:
0x0: {  	(pc) =	sbr.rel $0x88, $3  }
0x1: {  	(tag) =	ssettag $0x0;
	lr =	simm.s32 $0x1  }
0x2: {  	[smem:$0x3F9D] =	sst lr;
	_ =	strace $0xD0000000  }
0x3: {  	_ = 	snop  }
0x4: {  	_ = 	snop  }
0x5: {  	_ = 	snop  }
0x6: {  	_ = 	snop  }
0x7: {  	_ = 	snop  }
__scs_overlays_trampoline_lowered:
0x8: {  	[smem:$0x3FAC] =	sst s0  }
0x9: {  	[smem:$0x3FAD] =	sst s1  }
0xa: {  	[smem:$0x3FAE] =	sst s2  }
0xb: {  	[smem:$0x3FAF] =	sst s3  }
0xc: {  	[smem:$0x3FB0] =	sst s4  }
0xd: {  	[smem:$0x3FB1] =	sst s5  }
0xe: {  	[smem:$0x3FB2] =	sst s6  }
0xf: {  	[smem:$0x3FB3] =	sst s7  }
0x10: {  	[smem:$0x3FB4] =	sst s8  }
0x11: {  	[smem:$0x3FB5] =	sst s9;
	s0 =	simm.s32 @!p0 $0x0  }
0x12: {  	s1 =	sld [smem:$0x3F9B];
	s0 =	simm.s32 @p0 $0x1  }
0x13: {  	[smem:$0x3FB6] =	sst s0;
	s0 =	simm.s32 @!p1 $0x0  }
0x14: {  	s2 =	sld [smem:$0x3F9A];
	s0 =	simm.s32 @p1 $0x1  }
0x15: {  	[smem:$0x3FB7] =	sst s0;
	s0 =	simm.s32 @!p2 $0x0  }
0x16: {  	s3 =	sld [smem:$0x3FDB];
	s0 =	simm.s32 @p2 $0x1  }
0x17: {  	s4 =	simm.s32 $0x1BF5;
	[smem:$0x3FB9] =	sst s0  }
0x18: {  	s0 =	sld [smem:$0x3F9C];
	_ =	swait.ge [sflag:s4], $0x0  }
0x19: {  	s7 =	sld [smem:$0x3F9D]  }
0x1a: {  	s8 =	sadd.s32 $0xFFFFE003, lr  }
0x1b: {  	s9 =	sadd.s32 $0xFFFFFEF7, lr;
	s5 =	simm.s32 $0xFFFFFFFF;
	p2 =	slt.u32 s8, $0xFFFFF086  }
0x1c: {  	p1 =	slt.u32 s9, $0xF7A;
	s5 =	simm.s32 @!p2 $0x0  }
0x1d: {  	s5 =	simm.s32 @p1 $0x1;
	p0 =	seq.s32 s7, s2  }
0x1e: {  	s7 =	smul.u32 @!p0 $0xF7A, s2;
	p2 =	seq.s32 @!p0 s5, $0x0  }
0x1f: {  	s9 =	smul.u32 $0xF7A, s1;
	s8 =	simm.s32 @!p0 $0x1BF5;
	p2 =	por !p2, p0  }
0x20: {  	[sflag:s8] =	ssyncset.s32 @!p0 $0xFFFFF086;
	s6 =	sadd.s32 @!p0 s3, s7;
	s7 =	simm.s32 @!p0 $0x108  }
0x21: {  	s3 =	sadd.s32 s3, s9;
	s6 =	sadd.s32 @!p0 $0x88, s6;
	s7 =	simm.s32 @p2 $0x1082  }
0x22: {  	[simem:s7], [sflag:s8] =	dma.local @!p0 [hbm:s6], $0xF7A  }
0x23: {  	s9 =	sor.u32 $0xD0000000, s2;
	s6 =	simm.s32 $0x108;
	_ =	swait.ge @!p0 [sflag:s8], $0x0  }
0x24: {  	s3 =	sadd.s32 $0x88, s3;
	s6 =	simm.s32 @!p1 $0x1082;
	[sflag:s4] =	ssyncset.s32 $0xFFFFF086  }
0x25: {  	[simem:s6], [sflag:s4] =	dma.local [hbm:s3], $0xF7A  }
0x26: {  	[smem:$0x3F9D] =	sst s1;
	(tag) =	ssettag s2;
	_ =	strace s9  }
0x27: {  	s1 =	sld [smem:$0x3FAD]  }
0x28: {  	s2 =	sld [smem:$0x3FAE]  }
0x29: {  	s4 =	sld [smem:$0x3FB0]  }
0x2a: {  	p0 =	seq.s32 s5, $0x0;
	s5 =	sld [smem:$0x3FB1]  }
0x2b: {  	s6 =	sld [smem:$0x3FB2]  }
0x2c: {  	s7 =	sld [smem:$0x3FB3]  }
0x2d: {  	s3 =	simm.s32 $0x108;
	s8 =	sld [smem:$0x3FB4]  }
0x2e: {  	s3 =	simm.s32 @!p0 $0x1082;
	s9 =	sld [smem:$0x3FB5]  }
0x2f: {  	lr =	sadd.s32 s0, s3;
	s0 =	sld [smem:$0x3FAC]  }
0x30: {  	s3 =	sld [smem:$0x3FAF]  }
0x31: {  	[smem:$0x3FB8] =	sst s10  }
0x32: {  	s10 =	sld [smem:$0x3FB6];
	_ =	sdelay $0x3  }
0x33: {  	p0 =	seq.s32 s10, $0x1;
	s10 =	sld [smem:$0x3FB8];
	_ =	sdelay $0x3  }
0x34: {  	[smem:$0x3FB8] =	sst s10  }
0x35: {  	s10 =	sld [smem:$0x3FB7];
	_ =	sdelay $0x3  }
0x36: {  	p1 =	seq.s32 s10, $0x1;
	s10 =	sld [smem:$0x3FB8];
	_ =	sdelay $0x3  }
0x37: {  	[smem:$0x3FB8] =	sst s10  }
0x38: {  	s10 =	sld [smem:$0x3FB9]  }
0x39: {  	_ = 	snop;
	(pc) =	sbr.ind lr, $3  }
0x3a: {  	_ = 	snop  }
0x3b: {  	_ = 	snop  }
0x3c: {  	p2 =	seq.s32 s10, $0x1;
	s10 =	sld [smem:$0x3FB8]  }
0x3d: {  	_ =	shalt  }
0x3e: {  	_ =	shalt  }
0x3f: {  	_ =	shalt  }
0x40: {  	_ =	shalt  }
0x41: {  	_ =	shalt  }
0x42: {  	_ =	shalt  }
0x43: {  	_ =	shalt  }
0x44: {  	_ =	shalt  }
0x45: {  	_ =	shalt  }
0x46: {  	_ =	shalt  }
0x47: {  	_ =	shalt  }
0x48: {  	_ =	shalt  }
0x49: {  	_ =	shalt  }
0x4a: {  	_ =	shalt  }
0x4b: {  	_ =	shalt  }
0x4c: {  	_ =	shalt  }
0x4d: {  	_ =	shalt  }
0x4e: {  	_ =	shalt  }
0x4f: {  	_ =	shalt  }
0x50: {  	_ =	shalt  }
0x51: {  	_ =	shalt  }
0x52: {  	_ =	shalt  }
0x53: {  	_ =	shalt  }
0x54: {  	_ =	shalt  }
0x55: {  	_ =	shalt  }
0x56: {  	_ =	shalt  }
0x57: {  	_ =	shalt  }
0x58: {  	_ =	shalt  }
0x59: {  	_ =	shalt  }
0x5a: {  	_ =	shalt  }
0x5b: {  	_ =	shalt  }
0x5c: {  	_ =	shalt  }
0x5d: {  	_ =	shalt  }
0x5e: {  	_ =	shalt  }
0x5f: {  	_ =	shalt  }
0x60: {  	_ =	shalt  }
0x61: {  	_ =	shalt  }
0x62: {  	_ =	shalt  }
0x63: {  	_ =	shalt  }
0x64: {  	_ =	shalt  }
0x65: {  	_ =	shalt  }
0x66: {  	_ =	shalt  }
0x67: {  	_ =	shalt  }
0x68: {  	_ =	shalt  }
0x69: {  	_ =	shalt  }
0x6a: {  	_ =	shalt  }
0x6b: {  	_ =	shalt  }
0x6c: {  	_ =	shalt  }
0x6d: {  	_ =	shalt  }
0x6e: {  	_ =	shalt  }
0x6f: {  	_ =	shalt  }
0x70: {  	_ =	shalt  }
0x71: {  	_ =	shalt  }
0x72: {  	_ =	shalt  }
0x73: {  	_ =	shalt  }
0x74: {  	_ =	shalt  }
0x75: {  	_ =	shalt  }
0x76: {  	_ =	shalt  }
0x77: {  	_ =	shalt  }
0x78: {  	_ =	shalt  }
0x79: {  	_ =	shalt  }
0x7a: {  	_ =	shalt  }
0x7b: {  	_ =	shalt  }
0x7c: {  	_ =	shalt  }
0x7d: {  	_ =	shalt  }
0x7e: {  	_ =	shalt  }
0x7f: {  	_ =	shalt  }
0x80: {  	_ =	shalt  }
0x81: {  	_ =	shalt  }
0x82: {  	_ =	shalt  }
0x83: {  	_ =	shalt  }
0x84: {  	_ =	shalt  }
0x85: {  	_ =	shalt  }
0x86: {  	_ =	shalt  }
0x87: {  	_ =	shalt  }
.Lfunc_end0:
.L_simem_size_0:
called_computation.1_lowered:
.L_overlay_start_0:
0x88: {  	s2 =	sld [smem:$0x3FD9]  }
0x89: {  	s3 =	sld [smem:$0x3FFE];
	_ =	sdelay $0x1  }
0x8a: {  	s1 =	srdreg.scid  }
0x8b: {  	s0 =	sand.u32 $0x1, s1  }
0x8c: {  	s17 =	sshll.u32 s0, $0xA;
	s2 =	sadd.s32 s3, s2  }
0x8d: {  	s2 =	sadd.s32 s2, s17  }
0x8e: {  	[smem:$0x3FC4] =	sst s2  }
0x8f: {  	_ = 	snop  }
0x90: {  	s2 =	sld [smem:$0x3FC9]  }
0x91: {  	s18 =	sld [smem:$0x3FC8]  }
0x92: {  	s4 =	sld [smem:$0x3FD0];
	(tm) =	ssettm $0x1  }
0x93: {  	s5 =	sld [smem:$0x3FFB];
	_ =	sdelay $0x3  }
0x94: {  	_ =	strace s5  }
0x95: {  	s5 =	sld [smem:$0x3FFC];
	_ =	sdelay $0x3  }
0x96: {  	_ =	strace s5  }
0x97: {  	s5 =	sld [smem:$0x3FFD];
	_ =	sdelay $0x3  }
0x98: {  	_ =	strace s5  }
0x99: {  	_ =	strace $0x8FFFFFFF  }
0x9a: {  	s19 =	sld [smem:$0x3FDB];
	_ =	sdelay $0x1  }
0x9b: {  	s6 =	simm.s32 $_scs_section_size  }
0x9c: {  	s7 =	simm.s32 $_size__tile_overlayer_lowered;
	s8 =	simm.s32 $_tile_overlayer_lowered  }
0x9d: {  	s22 =	simm.s32 $0x1BFF;
	s21 =	sshll.u32 s8, $0x1;
	s5 =	sadd.s32 s6, s19  }
0x9e: {  	s9 =	simm.s32 $0x0;
	s20 =	sshll.u32 s7, $0x1;
	s7 =	sadd.s32 s21, s5  }
0x9f: {  	[timem:s9], [sflag:s22] =	dma.local [hbm:s7], s20  }
0xa0: {  	_ =	swait.ge [sflag:s22], s20  }
0xa1: {  	s6 =	ssub.s32 $0x0, s20;
	[sflag:s22] =	ssyncset.done $0x0  }
0xa2: {  	[sflag:s22] =	ssyncadd.s32 s6;
	_ =	sdelay $0x1  }
0xa3: {  	s23 =	simm.s32 $0x1B8B  }
0xa4: {  	_ =	swait.ge [sflag:s23], $0x1  }
0xa5: {  	[sflag:s23] =	ssyncset.done $0x0  }
0xa6: {  	s25 =	simm.s32 $0x1B8E;
	s24 =	sld [smem:$0x3FFE];
	[sflag:s23] =	ssyncadd.s32 $0xFFFFFFFF  }
0xa7: {  	s26 =	simm.s32 $execute0_lowered;
	[smem:$0x3FD2] =	sst s25  }
0xa8: {  	s7 =	sshll.u32 s26, $0x1;
	_ =	strace $0x80000049;
	[dreg:$0x1] =	wrdreg $0xFFFFFFFF  }
0xa9: {  	s28 =	simm.s32 $_size_execute0_lowered;
	s5 =	sadd.s32 s5, s7;
	[dreg:$0x0] =	wrdreg $0x0  }
0xaa: {  	s7 =	sshll.u32 s28, $0x1;
	[dreg:$0x2] =	wrdreg s5  }
0xab: {  	[dreg:$0x3] =	wrdreg s7  }
0xac: {  	[dreg:$0x4] =	wrdreg $0xC0  }
0xad: {  	_ =	task [dreg:s9], $0x5FFFF  }
0xae: {  	[dreg:$0x1] =	wrdreg $0xFFFFFFFF  }
0xaf: {  	[dreg:$0x0] =	wrdreg $0x60  }
0xb0: {  	[dreg:$0x2] =	wrdreg s2  }
0xb1: {  	[dreg:$0x3] =	wrdreg s18  }
0xb2: {  	[dreg:$0x4] =	wrdreg s4  }
0xb3: {  	[dreg:$0x5] =	wrdreg s24  }
0xb4: {  	[dreg:$0x6] =	wrdreg $0x9  }
0xb5: {  	_ =	task.clear_ibuf [dreg:s9], $0x7FFFF;
	_ =	strace $0x90000049  }
0xb6: {  	s29 =	simm.s32 $0x9;
	_ =	strace $0x8000004B  }
0xb7: {  	_ =	swait.ge [sflag:s29], $0x1  }
0xb8: {  	[sflag:s29] =	ssyncadd.s32 $0xFFFFFFFF  }
0xb9: {  	_ =	strace $0x9000004B  }
0xba: {  	_ =	sfence  }
0xbb: {  	s30 =	sld [smem:$0x0];
	_ =	sdelay $0x2  }
0xbc: {  	s31 =	sshll.u32 s1, $0xD;
	s1 =	sshrl.u32 s1, $0x2  }
0xbd: {  	s3 =	sand.u32 $0x4000, s31;
	s1 =	sadd.s32 s1, s30  }
0xbe: {  	s0 =	sor.u32 s3, s0;
	s1 =	sshll.u32 s1, $0x11  }
0xbf: {  	s0 =	sor.u32 s1, s0  }
0xc0: {  	s0 =	sadd.s32 $0x8F2B, s0  }
0xc1: {  	[sflag:s0] =	ssyncadd.remote.s32 $0x1  }
0xc2: {  	_ =	sfence.sel $0xFFFF  }
0xc3: {  	[dreg:$0x0] =	wrdreg $0xFFFFFFFF;
	(pc) =	sbr.abs _section_cstart, $3  }
0xc4: {  	[dreg:$0x1] =	wrdreg $0xFFFFFFFF  }
0xc5: {  	_ =	task.clear_ibuf [dreg:s9], $0x2FFFF;
	_ =	strace $0x9FFFFFFF  }
0xc6: {  	(tm) =	ssettm $0x7FFFFFFF  }
0xc7: {  	_ =	shalt  }
tec
execute0_lowered:
.L_overlay_start_1:
0x0: {  	(tag) =	ssettag $0x1  }
0x1: {  	s1 =	rddreg [dreg:$0x0]  }
0x2: {  	s4 =	rddreg [dreg:$0x1]  }
0x3: {  	s5 =	rddreg [dreg:$0x2];
	s2 =	srdreg.scid  }
0x4: {  	s0 =	stileid.u32;
	s6 =	rddreg [dreg:$0x3];
	s24 =	simm.s32 $0x100  }
0x5: {  	s25 =	simm.s32 $0x980;
	s26 =	simm.s32 $0x1180;
	s11 =	simm.s32 $0x2180  }
0x6: {  	s12 =	simm.s32 $0x2980;
	s13 =	simm.s32 $0x3180;
	s14 =	simm.s32 $0x3980  }
0x7: {  	s15 =	simm.s32 $0x4180;
	s16 =	simm.s32 $0x4980;
	s17 =	simm.s32 $0x5180  }
0x8: {  	s18 =	simm.s32 $0x5980;
	s28 =	simm.s32 $0xA180;
	s29 =	simm.s32 $0xA980  }
0x9: {  	s30 =	simm.s32 $0xB180;
	s7 =	sand.u32 $0x1, s2;
	s3 =	sshll.u32 s0, $0x1  }
0xa: {  	s31 =	simm.s32 $0xB980;
	s2 =	simm.s32 $0x0;
	s8 =	sor.u32 s7, s3  }
0xb: {  	[smem:$0x7FF] =	sst s2;
	s3 =	sadd.s32 $0x800, s6;
	s7 =	ssub.s32 $0x2, s7  }
0xc: {  	s9 =	sshll.u32 s8, $0x3;
	_ =	strace $0x8000004A;
	[dreg:$0x9] =	wrdreg s24  }
0xd: {  	s19 =	sshll.u32 s8, $0x4;
	s21 =	smul.u32 $0x1800, s8;
	[dreg:$0xa] =	wrdreg s25  }
0xe: {  	s23 =	sshrl.u32 s7, $0x1;
	s8 =	simm.s32 $0x80;
	[dreg:$0xb] =	wrdreg s26  }
0xf: {  	s24 =	simm.s32 $0x8980;
	s25 =	simm.s32 $0x9180;
	s26 =	simm.s32 $0x9980  }
0x10: {  	s10 =	sadd.s32 s9, s6;
	s4 =	sadd.s32 s4, s9;
	s20 =	sadd.s32 s5, s19  }
0x11: {  	s7 =	ssub.s32 s7, s23;
	s5 =	sadd.s32 $0xA00, s6;
	s9 =	simm.s32 $0x180  }
0x12: {  	s19 =	simm.s32 $0x6180;
	s23 =	simm.s32 $0x8180;
	[dreg:$0x5] =	wrdreg s4  }
0x13: {  	[dreg:$0x6] =	wrdreg s20;
	s22 =	sadd.s32 $0x5A800, s10;
	s1 =	sadd.s32 s1, s21  }
0x14: {  	v2 =	vlaneseq.u32;
	s4 =	sadd.s32 $0x900, s6;
	s6 =	smax.u32 s7, $0x1;
	s7 =	simm.s32 $0x2  }
0x15: {  	vm0 =	vmmov $0xffff;
	v1 =	vshrl.u32 v2, $0x3;
	s20 =	simm.s32 $0x6980;
	s21 =	simm.s32 $0x7180;
	[dreg:$0x7] =	wrdreg s22  }
0x16: {  	v0 =	vand.u32 $0x7, v2;
	v2 =	vor.u32 $0x8, v2;
	v1 =	vmul.u32 $0x8, v1;
	[dreg:$0x8] =	wrdreg s1;
	s22 =	simm.s32 $0x7980;
	s1 =	simm.s32 $0x1  }
.LBB2_1:
0x17: {  	s0 =	rddreg [dreg:$0x5]  }
0x18: {  	[tilespmem:s2], [sflag:$0x2] =	stream.linear.gather [hbm4b:s0+s2], $0x40, $0x38;
	[tilespmem:$0xC180] =	vst v63  }
0x19: {  	_ =	swait.ge [sflag:s7], $0x40  }
0x1a: {  	[sflag:s7] =	ssyncset.done $0x0  }
0x1b: {  	s10 =	rddreg [dreg:$0x6];
	[sflag:s7] =	ssyncadd.s32 $0xFFFFFFC0  }
0x1c: {  	[tilespmem:s8], [sflag:$0x2] =	stream.linear.gather [hbm4b:s10+s2], $0x80, $0x38;
	[tilespmem:$0xC180] =	vst v63  }
0x1d: {  	_ =	swait.ge [sflag:s7], $0x80  }
0x1e: {  	[sflag:s7] =	ssyncset.done $0x0  }
0x1f: {  	[sflag:s7] =	ssyncadd.s32 $0xFFFFFF80  }
0x20: {  	v3 =	vld [tilespmem:$0x0];
	_ =	sdelay $0x4  }
0x21: {  	(xrf1) =	vunique.msk.u32 $0xffff, v3;
	_ =	sdelay $0xb  }
0x22: {  	v4 =	vld.idx.msk [tilespmem:v3+s8+$0x0], $0xffff;
	_ =	sdelay $0x1  }
0x23: {  	_, v5, vm1 =	vpop (xrf1);
	_ =	sdelay $0x2  }
0x24: {  	v4 =	vadd.s32 v4, v5  }
0x25: {  	v5 =	vadd.s32 $0xFFFFFFFF, v4  }
0x26: {  	[tilespmem:$0x100] =	vst v5  }
0x27: {  	[tilespmem:v3+s8+$0x0] =	vst.idx.msk vm1, v4  }
0x28: {  	v3 =	vld [tilespmem:$0x10];
	_ =	sdelay $0x4  }
0x29: {  	(xrf1) =	vunique.msk.u32 $0xffff, v3;
	_ =	sdelay $0xb  }
0x2a: {  	v4 =	vld.idx.msk [tilespmem:v3+s8+$0x0], $0xffff;
	_ =	sdelay $0x1  }
0x2b: {  	_, v57, vm1 =	vpop (xrf1);
	_ =	sdelay $0x2  }
0x2c: {  	v4 =	vadd.s32 v4, v57  }
0x2d: {  	v5 =	vadd.s32 $0xFFFFFFFF, v4  }
0x2e: {  	[tilespmem:$0x110] =	vst v5  }
0x2f: {  	[tilespmem:v3+s8+$0x0] =	vst.idx.msk vm1, v4  }
0x30: {  	v3 =	vld [tilespmem:$0x20];
	_ =	sdelay $0x4  }
0x31: {  	(xrf1) =	vunique.msk.u32 $0xffff, v3;
	_ =	sdelay $0xb  }
0x32: {  	v4 =	vld.idx.msk [tilespmem:v3+s8+$0x0], $0xffff;
	_ =	sdelay $0x1  }
0x33: {  	_, v58, vm1 =	vpop (xrf1);
	_ =	sdelay $0x2  }
0x34: {  	v4 =	vadd.s32 v4, v58  }
0x35: {  	v5 =	vadd.s32 $0xFFFFFFFF, v4  }
0x36: {  	[tilespmem:$0x120] =	vst v5  }
0x37: {  	[tilespmem:v3+s8+$0x0] =	vst.idx.msk vm1, v4  }
0x38: {  	v3 =	vld [tilespmem:$0x30];
	_ =	sdelay $0x4  }
0x39: {  	(xrf1) =	vunique.msk.u32 $0xffff, v3;
	_ =	sdelay $0xb  }
0x3a: {  	v4 =	vld.idx.msk [tilespmem:v3+s8+$0x0], $0xffff;
	_ =	sdelay $0x1  }
0x3b: {  	_, v59, vm1 =	vpop (xrf1);
	_ =	sdelay $0x2  }
0x3c: {  	v4 =	vadd.s32 v4, v59  }
0x3d: {  	v5 =	vadd.s32 $0xFFFFFFFF, v4  }
0x3e: {  	s0 =	rddreg [dreg:$0x7];
	[tilespmem:$0x130] =	vst v5  }
0x3f: {  	s10 =	rddreg [dreg:$0x9];
	[tilespmem:v3+s8+$0x0] =	vst.idx.msk vm1, v4  }
0x40: {  	[hbm4b:s0+s2] =	stream.linear.scatter [tilespmem:s10], [sflag:$0x2], $0x40, $0x38;
	[tilespmem:$0xC180] =	vst v63  }
0x41: {  	_ =	swait.ge [sflag:s7], $0x40  }
0x42: {  	[sflag:s7] =	ssyncset.done $0x0  }
0x43: {  	s10 =	rddreg [dreg:$0x8];
	[sflag:s7] =	ssyncadd.s32 $0xFFFFFFC0  }
0x44: {  	[tilespmem:s9], [sflag:$0x2] =	stream.linear.gather [hbm4b:s10+s2], $0xC000, $0x38;
	[tilespmem:$0xC180] =	vst v63  }
0x45: {  	_ =	swait.ge [sflag:s7], $0xC000  }
0x46: {  	[sflag:s7] =	ssyncset.done $0x0  }
0x47: {  	[sflag:s7] =	ssyncadd.s32 $0xFFFF4000  }
0x48: {  	v3 =	vld [tilespmem:$0x100];
	_ =	sdelay $0x4  }
0x49: {  	v60 =	vshrl.u32 v3, $0x3  }
0x4a: {  	v4 =	vmul.u32 $0x30, v60  }
0x4b: {  	v3 =	vand.u32 $0x7, v3  }
0x4c: {  	v3 =	vor.u32 v3, v4  }
0x4d: {  	v4 =	vperm.xlane v3, v0;
	_ =	sdelay $0x1  }
0x4e: {  	v4 =	vadd.s32 v1, v4;
	_ =	sdelay $0x3  }
0x4f: {  	v3 =	vperm.xlane v3, v2  }
0x50: {  	[hbm4b:s3+s2] =	stream.indirect_vreg.scatter [tilespmem:s9], [sflag:$0x1], $0x80, v4, vm0, $0xb8;
	[tilespmem:$0xC180] =	vst v63  }
0x51: {  	s0 =	rddreg [dreg:$0xa];
	v3 =	vadd.s32 v1, v3  }
0x52: {  	[hbm4b:s4+s2] =	stream.indirect_vreg.scatter [tilespmem:s0], [sflag:$0x1], $0x80, v4, vm0, $0xb8;
	[tilespmem:$0xC180] =	vst v63  }
0x53: {  	s10 =	rddreg [dreg:$0xb]  }
0x54: {  	[hbm4b:s5+s2] =	stream.indirect_vreg.scatter [tilespmem:s10], [sflag:$0x1], $0x80, v4, vm0, $0xb8;
	[tilespmem:$0xC180] =	vst v63  }
0x55: {  	s10 =	simm.s32 $0x1980  }
0x56: {  	[hbm4b:s3+s2] =	stream.indirect_vreg.scatter [tilespmem:s10], [sflag:$0x1], $0x80, v3, vm0, $0xb8;
	[tilespmem:$0xC180] =	vst v63  }
0x57: {  	_ = 	snop  }
0x58: {  	[hbm4b:s4+s2] =	stream.indirect_vreg.scatter [tilespmem:s11], [sflag:$0x1], $0x80, v3, vm0, $0xb8;
	[tilespmem:$0xC180] =	vst v63  }
0x59: {  	_ = 	snop  }
0x5a: {  	[hbm4b:s5+s2] =	stream.indirect_vreg.scatter [tilespmem:s12], [sflag:$0x1], $0x80, v3, vm0, $0xb8;
	[tilespmem:$0xC180] =	vst v63  }
0x5b: {  	v3 =	vld [tilespmem:$0x110];
	_ =	sdelay $0x4  }
0x5c: {  	v61 =	vshrl.u32 v3, $0x3  }
0x5d: {  	v4 =	vmul.u32 $0x30, v61  }
0x5e: {  	v3 =	vand.u32 $0x7, v3  }
0x5f: {  	v3 =	vor.u32 v3, v4  }
0x60: {  	v4 =	vperm.xlane v3, v0;
	_ =	sdelay $0x1  }
0x61: {  	v4 =	vadd.s32 v1, v4;
	_ =	sdelay $0x3  }
0x62: {  	v3 =	vperm.xlane v3, v2  }
0x63: {  	[hbm4b:s3+s2] =	stream.indirect_vreg.scatter [tilespmem:s13], [sflag:$0x1], $0x80, v4, vm0, $0xb8;
	[tilespmem:$0xC180] =	vst v63  }
0x64: {  	v3 =	vadd.s32 v1, v3  }
0x65: {  	[hbm4b:s4+s2] =	stream.indirect_vreg.scatter [tilespmem:s14], [sflag:$0x1], $0x80, v4, vm0, $0xb8;
	[tilespmem:$0xC180] =	vst v63  }
0x66: {  	_ = 	snop  }
0x67: {  	[hbm4b:s5+s2] =	stream.indirect_vreg.scatter [tilespmem:s15], [sflag:$0x1], $0x80, v4, vm0, $0xb8;
	[tilespmem:$0xC180] =	vst v63  }
0x68: {  	_ = 	snop  }
0x69: {  	[hbm4b:s3+s2] =	stream.indirect_vreg.scatter [tilespmem:s16], [sflag:$0x1], $0x80, v3, vm0, $0xb8;
	[tilespmem:$0xC180] =	vst v63  }
0x6a: {  	_ = 	snop  }
0x6b: {  	[hbm4b:s4+s2] =	stream.indirect_vreg.scatter [tilespmem:s17], [sflag:$0x1], $0x80, v3, vm0, $0xb8;
	[tilespmem:$0xC180] =	vst v63  }
0x6c: {  	_ = 	snop  }
0x6d: {  	[hbm4b:s5+s2] =	stream.indirect_vreg.scatter [tilespmem:s18], [sflag:$0x1], $0x80, v3, vm0, $0xb8;
	[tilespmem:$0xC180] =	vst v63  }
0x6e: {  	v3 =	vld [tilespmem:$0x120];
	_ =	sdelay $0x4  }
0x6f: {  	v62 =	vshrl.u32 v3, $0x3  }
0x70: {  	v4 =	vmul.u32 $0x30, v62  }
0x71: {  	v3 =	vand.u32 $0x7, v3  }
0x72: {  	v3 =	vor.u32 v3, v4  }
0x73: {  	v4 =	vperm.xlane v3, v0;
	_ =	sdelay $0x1  }
0x74: {  	v4 =	vadd.s32 v1, v4;
	_ =	sdelay $0x3  }
0x75: {  	v3 =	vperm.xlane v3, v2  }
0x76: {  	[hbm4b:s3+s2] =	stream.indirect_vreg.scatter [tilespmem:s19], [sflag:$0x1], $0x80, v4, vm0, $0xb8;
	[tilespmem:$0xC180] =	vst v63  }
0x77: {  	v3 =	vadd.s32 v1, v3  }
0x78: {  	[hbm4b:s4+s2] =	stream.indirect_vreg.scatter [tilespmem:s20], [sflag:$0x1], $0x80, v4, vm0, $0xb8;
	[tilespmem:$0xC180] =	vst v63  }
0x79: {  	_ = 	snop  }
0x7a: {  	[hbm4b:s5+s2] =	stream.indirect_vreg.scatter [tilespmem:s21], [sflag:$0x1], $0x80, v4, vm0, $0xb8;
	[tilespmem:$0xC180] =	vst v63  }
0x7b: {  	_ = 	snop  }
0x7c: {  	[hbm4b:s3+s2] =	stream.indirect_vreg.scatter [tilespmem:s22], [sflag:$0x1], $0x80, v3, vm0, $0xb8;
	[tilespmem:$0xC180] =	vst v63  }
0x7d: {  	_ = 	snop  }
0x7e: {  	[hbm4b:s4+s2] =	stream.indirect_vreg.scatter [tilespmem:s23], [sflag:$0x1], $0x80, v3, vm0, $0xb8;
	[tilespmem:$0xC180] =	vst v63  }
0x7f: {  	_ = 	snop  }
0x80: {  	[hbm4b:s5+s2] =	stream.indirect_vreg.scatter [tilespmem:s24], [sflag:$0x1], $0x80, v3, vm0, $0xb8;
	[tilespmem:$0xC180] =	vst v63  }
0x81: {  	v3 =	vld [tilespmem:$0x130];
	_ =	sdelay $0x4  }
0x82: {  	v63 =	vshrl.u32 v3, $0x3  }
0x83: {  	v4 =	vmul.u32 $0x30, v63  }
0x84: {  	v3 =	vand.u32 $0x7, v3  }
0x85: {  	v3 =	vor.u32 v3, v4  }
0x86: {  	v4 =	vperm.xlane v3, v0;
	_ =	sdelay $0x1  }
0x87: {  	v4 =	vadd.s32 v1, v4;
	_ =	sdelay $0x3  }
0x88: {  	v3 =	vperm.xlane v3, v2  }
0x89: {  	[hbm4b:s3+s2] =	stream.indirect_vreg.scatter [tilespmem:s25], [sflag:$0x1], $0x80, v4, vm0, $0xb8;
	[tilespmem:$0xC180] =	vst v63  }
0x8a: {  	v3 =	vadd.s32 v1, v3  }
0x8b: {  	[hbm4b:s4+s2] =	stream.indirect_vreg.scatter [tilespmem:s26], [sflag:$0x1], $0x80, v4, vm0, $0xb8;
	[tilespmem:$0xC180] =	vst v63  }
0x8c: {  	_ = 	snop  }
0x8d: {  	[hbm4b:s5+s2] =	stream.indirect_vreg.scatter [tilespmem:s28], [sflag:$0x1], $0x80, v4, vm0, $0xb8;
	[tilespmem:$0xC180] =	vst v63  }
0x8e: {  	_ = 	snop  }
0x8f: {  	[hbm4b:s3+s2] =	stream.indirect_vreg.scatter [tilespmem:s29], [sflag:$0x1], $0x80, v3, vm0, $0xb8;
	[tilespmem:$0xC180] =	vst v63  }
0x90: {  	p0 =	sne.s32 s6, $0x1  }
0x91: {  	[hbm4b:s4+s2] =	stream.indirect_vreg.scatter [tilespmem:s30], [sflag:$0x1], $0x80, v3, vm0, $0xb8;
	[tilespmem:$0xC180] =	vst v63  }
.Ltmp0:
0x92: {  	_ = 	snop;
	(pc) =	sbr.rel @p0 .LBB2_1-.Ltmp0, $4  }
0x93: {  	[hbm4b:s5+s2] =	stream.indirect_vreg.scatter [tilespmem:s31], [sflag:$0x1], $0x80, v3, vm0, $0xb8;
	[tilespmem:$0xC180] =	vst v63  }
0x94: {  	_ =	swait.ge [sflag:s1], $0xC000  }
0x95: {  	[sflag:s1] =	ssyncset.done $0x0  }
0x96: {  	s6 =	sadd.s32 $0xFFFFFFFF, s6;
	[sflag:s1] =	ssyncadd.s32 $0xFFFF4000  }
0x97: {  	_ =	sfence.sel $0x180000  }
0x98: {  	[bflag:$0x0] =	sbarrier.arrive $0xFFFF  }
0x99: {  	_ =	strace $0x9000004A  }
0x9a: {  	s0 =	stileid.u32;
	[bflag:$0x2] =	sbarrier.arrive $0xFFFF  }
0x9b: {  	p0 =	sne.s32 s0, $0x0;
	s0 =	rddreg [dreg:$0x4]  }
0x9c: {  	s0 =	sadd.s32 @!p0 $0x100000, s0  }
0x9d: {  	[sflag:s0] =	ssyncadd.tile.s32 @!p0 $0x1;
	_ =	shalt  }
.Lfunc_end2:
_tile_overlayer_lowered:
.L_overlay_start_2:
0x9e: {  	(tag) =	ssettag $0x2  }
0x9f: {  	s0 =	rddreg [dreg:$0x0];
	s2 =	stileid.u32  }
0xa0: {  	s1 =	rddreg [dreg:$0x1];
	p0 =	sne.s32 s2, $0x0  }
0xa1: {  	s3 =	rddreg [dreg:$0x2];
	[bflag:$0x3] =	sbarrier.arrive $0xFFFF;
	s2 =	simm.s32 @!p0 $0x1C02  }
0xa2: {  	[timem:s3], [sflag:s2] =	dma.local @!p0 [hbm:s0], s1  }
0xa3: {  	s0 =	simm.s32 @!p0 $0x2  }
0xa4: {  	_ =	swait.ge @!p0 [sflag:s0], s1  }
0xa5: {  	s1 =	ssub.s32 @!p0 $0x0, s1;
	[sflag:s0] =	ssyncset.done @!p0 $0x0  }
0xa6: {  	[sflag:s0] =	ssyncadd.s32 @!p0 s1  }
0xa7: {  	[bflag:$0x3] =	sbarrier.arrive $0xFFFF  }
0xa8: {  	_ =	shalt  }

</sc_bundles>
